<compile_context>
chip_gen: v7x
topology: tpu7x:2x2x1
jax: 0.10.2.dev20260603
libtpu: 0.0.44.dev20260713+nightly
codegen_flags: <defaults>
</compile_context>

<pallas_src>
import jax
import jax.numpy as jnp
from jax import lax
from jax.experimental import pallas as pl
from jax.experimental.pallas import tpu as pltpu
from jax.experimental.pallas import tpu_sc as plsc

N = 10000
E = 320000
D = 128
NC = 2
NS = 16
NW = NC * NS
EPW = E // NW
B = 80
NB = EPW // B
NCH = 5
BPC = NB // NCH
NP_ = 10240
RPT = NP_ // NS

_MESH = plsc.VectorSubcoreMesh(
    core_axis_name="c", subcore_axis_name="s", num_cores=NC, num_subcores=NS)


def _sc_agg_body(h_hbm, src_hbm, dst_hbm, z_hbm,
                 agg_out, src_v, dst_v, buf_a, buf_b, sem, agg_sh):
  c = lax.axis_index("c")
  s = lax.axis_index("s")
  wid = s * NC + c
  rows = pl.ds(s * RPT, RPT)
  pltpu.sync_copy(z_hbm.at[rows], agg_sh.at[rows])
  plsc.subcore_barrier()

  def wait_gather(buf):
    pltpu.make_async_copy(h_hbm.at[pl.ds(0, B)], buf, sem).wait()

  def chunk(ch, carry):
    pltpu.sync_copy(src_hbm.at[wid, ch], src_v)
    pltpu.sync_copy(dst_hbm.at[wid, ch], dst_v)
    pltpu.async_copy(h_hbm.at[src_v.at[0]], buf_a, sem)

    def pair(p, carry):
      j0 = 2 * p
      pltpu.async_copy(h_hbm.at[src_v.at[j0 + 1]], buf_b, sem)
      wait_gather(buf_a)
      pltpu.sync_copy(buf_a, agg_sh.at[dst_v.at[j0]], add=True)
      pltpu.async_copy(h_hbm.at[src_v.at[j0 + 2]], buf_a, sem)
      wait_gather(buf_b)
      pltpu.sync_copy(buf_b, agg_sh.at[dst_v.at[j0 + 1]], add=True)
      return carry

    carry = lax.fori_loop(0, (BPC - 1) // 2, pair, carry)
    wait_gather(buf_a)
    pltpu.sync_copy(buf_a, agg_sh.at[dst_v.at[BPC - 1]], add=True)
    return carry

  lax.fori_loop(0, NCH, chunk, 0)
  plsc.subcore_barrier()
  pltpu.sync_copy(agg_sh.at[rows], agg_out.at[c, rows])


_sc_agg = pl.kernel(
    _sc_agg_body,
    out_type=jax.ShapeDtypeStruct((NC, NP_, D), jnp.float32),
    mesh=_MESH,
    scratch_types=[
        pltpu.VMEM((BPC, B), jnp.int32),
        pltpu.VMEM((BPC, B), jnp.int32),
        pltpu.VMEM((B, D), jnp.float32),
        pltpu.VMEM((B, D), jnp.float32),
        pltpu.SemaphoreType.DMA,
        pltpu.VMEM_SHARED((NP_, D), jnp.float32),
    ])


def _sc_deg_body(dst_hbm, z_hbm, ones_hbm,
                 deg_out, dst_v, ones_v, deg_sh):
  c = lax.axis_index("c")
  s = lax.axis_index("s")
  wid = s * NC + c
  rows = pl.ds(s * RPT, RPT)
  pltpu.sync_copy(z_hbm.at[rows], deg_sh.at[rows])
  pltpu.sync_copy(ones_hbm, ones_v)
  plsc.subcore_barrier()

  def chunk(ch, carry):
    pltpu.sync_copy(dst_hbm.at[wid, ch], dst_v)

    def step(j, carry):
      pltpu.sync_copy(ones_v, deg_sh.at[dst_v.at[j]], add=True)
      return carry

    return lax.fori_loop(0, BPC, step, carry)

  lax.fori_loop(0, NCH, chunk, 0)
  plsc.subcore_barrier()
  pltpu.sync_copy(deg_sh.at[rows], deg_out.at[c, rows])


_sc_deg = pl.kernel(
    _sc_deg_body,
    out_type=jax.ShapeDtypeStruct((NC, NP_, D), jnp.float32),
    mesh=_MESH,
    scratch_types=[
        pltpu.VMEM((BPC, B), jnp.int32),
        pltpu.VMEM((B, D), jnp.float32),
        pltpu.VMEM_SHARED((NP_, D), jnp.float32),
    ])


def _make_tc_layer(relu: bool):
  blk = 1000

  def body(h_ref, agg_ref, deg_ref, ws_ref, wn_ref, b_ref, o_ref):
    a = agg_ref[0] + agg_ref[1]
    dg = deg_ref[0, :, 0:1] + deg_ref[1, :, 0:1]
    h_neigh = a * (1.0 / jnp.maximum(dg, 1.0))
    out = (jnp.dot(h_ref[...], ws_ref[...], preferred_element_type=jnp.float32)
           + jnp.dot(h_neigh, wn_ref[...], preferred_element_type=jnp.float32)
           + b_ref[...])
    if relu:
      out = jnp.maximum(out, 0.0)
    o_ref[...] = out

  return pl.pallas_call(
      body,
      grid=(N // blk,),
      in_specs=[
          pl.BlockSpec((blk, D), lambda i: (i, 0)),
          pl.BlockSpec((NC, blk, D), lambda i: (0, i, 0)),
          pl.BlockSpec((NC, blk, D), lambda i: (0, i, 0)),
          pl.BlockSpec((D, D), lambda i: (0, 0)),
          pl.BlockSpec((D, D), lambda i: (0, 0)),
          pl.BlockSpec((1, D), lambda i: (0, 0)),
      ],
      out_specs=pl.BlockSpec((blk, D), lambda i: (i, 0)),
      out_shape=jax.ShapeDtypeStruct((N, D), jnp.float32),
  )


_tc_relu = _make_tc_layer(True)
_tc_last = _make_tc_layer(False)


def kernel(x, edge_index, Ws0, Wn0, b0, Ws1, Wn1, b1, Ws2, Wn2, b2):
  src = edge_index[0].reshape(NW, NCH, BPC, B)
  dst = edge_index[1].reshape(NW, NCH, BPC, B)
  z = jnp.zeros((NP_, D), jnp.float32)
  ones = jnp.ones((B, D), jnp.float32)

  deg = _sc_deg(dst, z, ones)
  agg = _sc_agg(x, src, dst, z)
  h = _tc_relu(x, agg, deg, Ws0, Wn0, b0.reshape(1, D))
  agg = _sc_agg(h, src, dst, z)
  h = _tc_relu(h, agg, deg, Ws1, Wn1, b1.reshape(1, D))
  agg = _sc_agg(h, src, dst, z)
  return _tc_last(h, agg, deg, Ws2, Wn2, b2.reshape(1, D))

# --- scband reference (transcript-rebuilt; emitter-appended) ---
"""Pipeline reference for scband-sage-52673478918617 (READ-ONLY COPY).

The authoritative reference and input builder live on the scoring server;
editing this copy changes nothing except your own understanding.
"""

import jax, jax.numpy as jnp
import numpy as np

N = 10000
E = 320000
D_IN = 128
D_HID = 128
D_OUT = 128


def setup_inputs(seed: int = 0):
    key = jax.random.key(seed)
    ks = jax.random.split(key, 12)
    inp = {}
    inp["x"] = jax.random.normal(ks[0], (N, D_IN), dtype=jnp.float32)
    inp["edge_index"] = jax.random.randint(ks[1], (2, E), 0, N, dtype=jnp.int32)
    dims = [(D_IN, D_HID), (D_HID, D_HID), (D_HID, D_OUT)]
    for i, (di, do) in enumerate(dims):
        scale = 1.0 / np.sqrt(di)
        inp[f"Ws{i}"] = jax.random.uniform(ks[2 + 3 * i], (di, do), dtype=jnp.float32, minval=-scale, maxval=scale)
        inp[f"Wn{i}"] = jax.random.uniform(ks[3 + 3 * i], (di, do), dtype=jnp.float32, minval=-scale, maxval=scale)
        inp[f"b{i}"] = jax.random.uniform(ks[4 + 3 * i], (do,), dtype=jnp.float32, minval=-scale, maxval=scale)
    return inp


def reference(x, edge_index, Ws0, Wn0, b0, Ws1, Wn1, b1, Ws2, Wn2, b2):
    # GraphSAGE with 'mean' aggregator (DGL SAGEConv semantics):
    #   h_neigh = mean_{src in N(dst)} h[src]
    #   out = h_self @ W_self + h_neigh @ W_neigh + b
    # Dropout is identity in eval mode.
    src = edge_index[0]
    dst = edge_index[1]

    def sage_layer(h, Ws, Wn, b):
        msg = jnp.take(h, src, axis=0)                       # gather (SparseCore)
        agg = jax.ops.segment_sum(msg, dst, num_segments=N)  # scatter-add
        deg = jax.ops.segment_sum(jnp.ones((E,), dtype=h.dtype), dst, num_segments=N)
        h_neigh = agg / jnp.maximum(deg, 1.0)[:, None]
        return h @ Ws + h_neigh @ Wn + b

    h = jax.nn.relu(sage_layer(x, Ws0, Wn0, b0))
    h = jax.nn.relu(sage_layer(h, Ws1, Wn1, b1))
    h = sage_layer(h, Ws2, Wn2, b2)
    return h

if __name__ == "__main__":
    import jax
    _d = setup_inputs()
    print(jax.jit(kernel)(*tuple(_d.values())))

</pallas_src>

<mosaic_0001>
#map = affine_map<(d0, d1) -> (0, 0)>
#map1 = affine_map<(d0, d1) -> (0, 0, 0, 0)>
#map2 = affine_map<(d0, d1) -> (0, 0, 0)>
module attributes {stable_mosaic.version = 14 : i64} {
  func.func @_sc_agg_body(%arg0: i32, %arg1: i32, %arg2: memref<10000x128xf32, #tpu.memory_space<hbm>>, %arg3: memref<32x5x25x80xi32, #tpu.memory_space<hbm>>, %arg4: memref<32x5x25x80xi32, #tpu.memory_space<hbm>>, %arg5: memref<10240x128xf32, #tpu.memory_space<hbm>>, %arg6: memref<2x10240x128xf32, #tpu.memory_space<hbm>>, %arg7: memref<25x80xi32, #tpu.memory_space<vmem>>, %arg8: memref<25x80xi32, #tpu.memory_space<vmem>>, %arg9: memref<80x128xf32, #tpu.memory_space<vmem>>, %arg10: memref<80x128xf32, #tpu.memory_space<vmem>>, %arg11: memref<!tpu.dma_semaphore, #tpu.memory_space<semaphore_mem>>, %arg12: memref<10240x128xf32, #tpu.memory_space<vmem_shared>>) attributes {dimension_semantics = [#tpu.dimension_semantics<core_parallel>, #tpu.dimension_semantics<subcore_parallel>], iteration_bounds = array<i64: 2, 16>, scalar_prefetch = 0 : i64, scratch_operands = 6 : i64, tpu.core_type = #tpu.core_type<sc_vector_subcore>, window_params = [{transform_indices = #map}, {transform_indices = #map1}, {transform_indices = #map1}, {transform_indices = #map}, {transform_indices = #map2}]} {
    %mul3A = arith.constant 2 : i32
    %mul3A_0 = arith.muli %arg1, %mul3A : i32
    %add3A = arith.addi %mul3A_0, %arg0 : i32
    %mul3A_1 = arith.constant 640 : i32
    %mul3A_2 = arith.muli %arg1, %mul3A_1 : i32
    "tpu.region"() ({
      %run_scoped3A = tpu.sem_alloc : memref<!tpu.dma_semaphore, #tpu.memory_space<semaphore_mem>>
      %dma_start3A = arith.constant 0 : i32
      %dma_start3A_9 = tpu.memref_slice %arg12[%mul3A_2, %dma_start3A] : memref<10240x128xf32, #tpu.memory_space<vmem_shared>> -> memref<640x128xf32, #tpu.memory_space<vmem_shared>>
      %dma_start3A_10 = arith.constant 0 : i32
      %dma_start3A_11 = tpu.memref_slice %arg5[%mul3A_2, %dma_start3A_10] : memref<10240x128xf32, #tpu.memory_space<hbm>> -> memref<640x128xf32, #tpu.memory_space<hbm>>
      tpu.enqueue_dma source(%dma_start3A_11 : memref<640x128xf32, #tpu.memory_space<hbm>>) target(%dma_start3A_9 : memref<640x128xf32, #tpu.memory_space<vmem_shared>>) target_semaphore(%run_scoped3A : memref<!tpu.dma_semaphore, #tpu.memory_space<semaphore_mem>>)
      %dma_wait3A = arith.constant 0 : i32
      %dma_wait3A_12 = tpu.memref_slice %arg12[%mul3A_2, %dma_wait3A] : memref<10240x128xf32, #tpu.memory_space<vmem_shared>> -> memref<640x128xf32, #tpu.memory_space<vmem_shared>>
      %dma_wait3A_13 = arith.constant 0 : i32
      %dma_wait3A_14 = tpu.memref_slice %arg5[%mul3A_2, %dma_wait3A_13] : memref<10240x128xf32, #tpu.memory_space<hbm>> -> memref<640x128xf32, #tpu.memory_space<hbm>>
      tpu.wait_dma2 semaphore(%run_scoped3A : memref<!tpu.dma_semaphore, #tpu.memory_space<semaphore_mem>>) src(%dma_wait3A_14 : memref<640x128xf32, #tpu.memory_space<hbm>>) dst(%dma_wait3A_12 : memref<640x128xf32, #tpu.memory_space<vmem_shared>>)
      tpu.yield
    }) : () -> ()
    %barrier3A = arith.constant 0 : index
    tpu.barrier barrier_id(%barrier3A)
    %scan3A = arith.constant 0 : i32
    %scan3A_3 = arith.constant 0 : i32
    %scan3A_4 = arith.constant 5 : i32
    %scan3A_5 = arith.addi %scan3A_3, %scan3A_4 : i32
    %scan3A_6 = arith.constant 1 : i32
    scf.for %scan3A_9 = %scan3A_3 to %scan3A_5 step %scan3A_6  : i32 {
      "tpu.region"() ({
        %run_scoped3A_26 = tpu.sem_alloc : memref<!tpu.dma_semaphore, #tpu.memory_space<semaphore_mem>>
        %dma_start3A_27 = arith.constant 0 : i32
        %dma_start3A_28 = arith.constant 0 : i32
        %dma_start3A_29 = tpu.memref_slice %arg3[%add3A, %scan3A_9, %dma_start3A_27, %dma_start3A_28] : memref<32x5x25x80xi32, #tpu.memory_space<hbm>> -> memref<1x1x25x80xi32, #tpu.memory_space<hbm>>
        %dma_start3A_30 = tpu.memref_squeeze %dma_start3A_29 : memref<1x1x25x80xi32, #tpu.memory_space<hbm>> -> memref<25x80xi32, #tpu.memory_space<hbm>>
        %dma_start3A_31 = arith.constant 0 : i32
        %dma_start3A_32 = arith.constant 0 : i32
        %dma_start3A_33 = tpu.memref_slice %arg3[%add3A, %scan3A_9, %dma_start3A_31, %dma_start3A_32] : memref<32x5x25x80xi32, #tpu.memory_space<hbm>> -> memref<1x1x25x80xi32, #tpu.memory_space<hbm>>
        %dma_start3A_34 = tpu.memref_squeeze %dma_start3A_33 : memref<1x1x25x80xi32, #tpu.memory_space<hbm>> -> memref<25x80xi32, #tpu.memory_space<hbm>>
        tpu.enqueue_dma source(%dma_start3A_34 : memref<25x80xi32, #tpu.memory_space<hbm>>) target(%arg7 : memref<25x80xi32, #tpu.memory_space<vmem>>) target_semaphore(%run_scoped3A_26 : memref<!tpu.dma_semaphore, #tpu.memory_space<semaphore_mem>>)
        %dma_wait3A_35 = arith.constant 0 : i32
        %dma_wait3A_36 = arith.constant 0 : i32
        %dma_wait3A_37 = tpu.memref_slice %arg3[%add3A, %scan3A_9, %dma_wait3A_35, %dma_wait3A_36] : memref<32x5x25x80xi32, #tpu.memory_space<hbm>> -> memref<1x1x25x80xi32, #tpu.memory_space<hbm>>
        %dma_wait3A_38 = tpu.memref_squeeze %dma_wait3A_37 : memref<1x1x25x80xi32, #tpu.memory_space<hbm>> -> memref<25x80xi32, #tpu.memory_space<hbm>>
        %dma_wait3A_39 = arith.constant 0 : i32
        %dma_wait3A_40 = arith.constant 0 : i32
        %dma_wait3A_41 = tpu.memref_slice %arg3[%add3A, %scan3A_9, %dma_wait3A_39, %dma_wait3A_40] : memref<32x5x25x80xi32, #tpu.memory_space<hbm>> -> memref<1x1x25x80xi32, #tpu.memory_space<hbm>>
        %dma_wait3A_42 = tpu.memref_squeeze %dma_wait3A_41 : memref<1x1x25x80xi32, #tpu.memory_space<hbm>> -> memref<25x80xi32, #tpu.memory_space<hbm>>
        tpu.wait_dma2 semaphore(%run_scoped3A_26 : memref<!tpu.dma_semaphore, #tpu.memory_space<semaphore_mem>>) src(%dma_wait3A_42 : memref<25x80xi32, #tpu.memory_space<hbm>>) dst(%arg7 : memref<25x80xi32, #tpu.memory_space<vmem>>)
        tpu.yield
      }) : () -> ()
      "tpu.region"() ({
        %run_scoped3A_26 = tpu.sem_alloc : memref<!tpu.dma_semaphore, #tpu.memory_space<semaphore_mem>>
        %dma_start3A_27 = arith.constant 0 : i32
        %dma_start3A_28 = arith.constant 0 : i32
        %dma_start3A_29 = tpu.memref_slice %arg4[%add3A, %scan3A_9, %dma_start3A_27, %dma_start3A_28] : memref<32x5x25x80xi32, #tpu.memory_space<hbm>> -> memref<1x1x25x80xi32, #tpu.memory_space<hbm>>
        %dma_start3A_30 = tpu.memref_squeeze %dma_start3A_29 : memref<1x1x25x80xi32, #tpu.memory_space<hbm>> -> memref<25x80xi32, #tpu.memory_space<hbm>>
        %dma_start3A_31 = arith.constant 0 : i32
        %dma_start3A_32 = arith.constant 0 : i32
        %dma_start3A_33 = tpu.memref_slice %arg4[%add3A, %scan3A_9, %dma_start3A_31, %dma_start3A_32] : memref<32x5x25x80xi32, #tpu.memory_space<hbm>> -> memref<1x1x25x80xi32, #tpu.memory_space<hbm>>
        %dma_start3A_34 = tpu.memref_squeeze %dma_start3A_33 : memref<1x1x25x80xi32, #tpu.memory_space<hbm>> -> memref<25x80xi32, #tpu.memory_space<hbm>>
        tpu.enqueue_dma source(%dma_start3A_34 : memref<25x80xi32, #tpu.memory_space<hbm>>) target(%arg8 : memref<25x80xi32, #tpu.memory_space<vmem>>) target_semaphore(%run_scoped3A_26 : memref<!tpu.dma_semaphore, #tpu.memory_space<semaphore_mem>>)
        %dma_wait3A_35 = arith.constant 0 : i32
        %dma_wait3A_36 = arith.constant 0 : i32
        %dma_wait3A_37 = tpu.memref_slice %arg4[%add3A, %scan3A_9, %dma_wait3A_35, %dma_wait3A_36] : memref<32x5x25x80xi32, #tpu.memory_space<hbm>> -> memref<1x1x25x80xi32, #tpu.memory_space<hbm>>
        %dma_wait3A_38 = tpu.memref_squeeze %dma_wait3A_37 : memref<1x1x25x80xi32, #tpu.memory_space<hbm>> -> memref<25x80xi32, #tpu.memory_space<hbm>>
        %dma_wait3A_39 = arith.constant 0 : i32
        %dma_wait3A_40 = arith.constant 0 : i32
        %dma_wait3A_41 = tpu.memref_slice %arg4[%add3A, %scan3A_9, %dma_wait3A_39, %dma_wait3A_40] : memref<32x5x25x80xi32, #tpu.memory_space<hbm>> -> memref<1x1x25x80xi32, #tpu.memory_space<hbm>>
        %dma_wait3A_42 = tpu.memref_squeeze %dma_wait3A_41 : memref<1x1x25x80xi32, #tpu.memory_space<hbm>> -> memref<25x80xi32, #tpu.memory_space<hbm>>
        tpu.wait_dma2 semaphore(%run_scoped3A_26 : memref<!tpu.dma_semaphore, #tpu.memory_space<semaphore_mem>>) src(%dma_wait3A_42 : memref<25x80xi32, #tpu.memory_space<hbm>>) dst(%arg8 : memref<25x80xi32, #tpu.memory_space<vmem>>)
        tpu.yield
      }) : () -> ()
      %dma_start3A = arith.constant 0 : i32
      %dma_start3A_10 = arith.constant 0 : i32
      %dma_start3A_11 = tpu.memref_slice %arg7[%dma_start3A, %dma_start3A_10] : memref<25x80xi32, #tpu.memory_space<vmem>> -> memref<1x80xi32, #tpu.memory_space<vmem>>
      %dma_start3A_12 = tpu.memref_squeeze %dma_start3A_11 : memref<1x80xi32, #tpu.memory_space<vmem>> -> memref<80xi32, #tpu.memory_space<vmem>>
      %dma_start3A_13 = arith.constant 0 : i32
      %dma_start3A_14 = arith.constant 0 : i32
      %dma_start3A_15 = tpu.memref_slice %arg2[%dma_start3A_13, %dma_start3A_14] : memref<10000x128xf32, #tpu.memory_space<hbm>> -> memref<10000x128xf32, #tpu.memory_space<hbm>>
      tpu.enqueue_indirect_dma source(%dma_start3A_15 : memref<10000x128xf32, #tpu.memory_space<hbm>>) target(%arg9 : memref<80x128xf32, #tpu.memory_space<vmem>>) offsets(%dma_start3A_12 : memref<80xi32, #tpu.memory_space<vmem>>) semaphore(%arg11 : memref<!tpu.dma_semaphore, #tpu.memory_space<semaphore_mem>>)
      %scan3A_16 = arith.constant 0 : i32
      %scan3A_17 = arith.constant 12 : i32
      %scan3A_18 = arith.addi %scan3A_16, %scan3A_17 : i32
      %scan3A_19 = arith.constant 1 : i32
      scf.for %scan3A_26 = %scan3A_16 to %scan3A_18 step %scan3A_19  : i32 {
        %mul3A_27 = arith.constant 2 : i32
        %mul3A_28 = arith.muli %mul3A_27, %scan3A_26 : i32
        %add3A_29 = arith.constant 1 : i32
        %add3A_30 = arith.addi %mul3A_28, %add3A_29 : i32
        %dma_start3A_31 = arith.constant 0 : i32
        %dma_start3A_32 = tpu.memref_slice %arg7[%add3A_30, %dma_start3A_31] : memref<25x80xi32, #tpu.memory_space<vmem>> -> memref<1x80xi32, #tpu.memory_space<vmem>>
        %dma_start3A_33 = tpu.memref_squeeze %dma_start3A_32 : memref<1x80xi32, #tpu.memory_space<vmem>> -> memref<80xi32, #tpu.memory_space<vmem>>
        %dma_start3A_34 = arith.constant 0 : i32
        %dma_start3A_35 = arith.constant 0 : i32
        %dma_start3A_36 = tpu.memref_slice %arg2[%dma_start3A_34, %dma_start3A_35] : memref<10000x128xf32, #tpu.memory_space<hbm>> -> memref<10000x128xf32, #tpu.memory_space<hbm>>
        tpu.enqueue_indirect_dma source(%dma_start3A_36 : memref<10000x128xf32, #tpu.memory_space<hbm>>) target(%arg10 : memref<80x128xf32, #tpu.memory_space<vmem>>) offsets(%dma_start3A_33 : memref<80xi32, #tpu.memory_space<vmem>>) semaphore(%arg11 : memref<!tpu.dma_semaphore, #tpu.memory_space<semaphore_mem>>)
        %dma_wait3A_37 = arith.constant 0 : i32
        %dma_wait3A_38 = arith.constant 0 : i32
        %dma_wait3A_39 = tpu.memref_slice %arg2[%dma_wait3A_37, %dma_wait3A_38] : memref<10000x128xf32, #tpu.memory_space<hbm>> -> memref<80x128xf32, #tpu.memory_space<hbm>>
        %dma_wait3A_40 = arith.constant 0 : i32
        %dma_wait3A_41 = arith.constant 0 : i32
        %dma_wait3A_42 = tpu.memref_slice %arg2[%dma_wait3A_40, %dma_wait3A_41] : memref<10000x128xf32, #tpu.memory_space<hbm>> -> memref<80x128xf32, #tpu.memory_space<hbm>>
        tpu.wait_dma2 semaphore(%arg11 : memref<!tpu.dma_semaphore, #tpu.memory_space<semaphore_mem>>) src(%dma_wait3A_42 : memref<80x128xf32, #tpu.memory_space<hbm>>) dst(%arg9 : memref<80x128xf32, #tpu.memory_space<vmem>>)
        "tpu.region"() ({
          %run_scoped3A_59 = tpu.sem_alloc : memref<!tpu.dma_semaphore, #tpu.memory_space<semaphore_mem>>
          %dma_start3A_60 = arith.constant 0 : i32
          %dma_start3A_61 = tpu.memref_slice %arg8[%mul3A_28, %dma_start3A_60] : memref<25x80xi32, #tpu.memory_space<vmem>> -> memref<1x80xi32, #tpu.memory_space<vmem>>
          %dma_start3A_62 = tpu.memref_squeeze %dma_start3A_61 : memref<1x80xi32, #tpu.memory_space<vmem>> -> memref<80xi32, #tpu.memory_space<vmem>>
          %dma_start3A_63 = arith.constant 0 : i32
          %dma_start3A_64 = arith.constant 0 : i32
          %dma_start3A_65 = tpu.memref_slice %arg12[%dma_start3A_63, %dma_start3A_64] : memref<10240x128xf32, #tpu.memory_space<vmem_shared>> -> memref<10240x128xf32, #tpu.memory_space<vmem_shared>>
          tpu.enqueue_indirect_dma source(%arg9 : memref<80x128xf32, #tpu.memory_space<vmem>>) target(%dma_start3A_65 : memref<10240x128xf32, #tpu.memory_space<vmem_shared>>) offsets(%dma_start3A_62 : memref<80xi32, #tpu.memory_space<vmem>>) semaphore(%run_scoped3A_59 : memref<!tpu.dma_semaphore, #tpu.memory_space<semaphore_mem>>) {add = true}
          %dma_wait3A_66 = arith.constant 0 : i32
          %dma_wait3A_67 = tpu.memref_slice %arg8[%mul3A_28, %dma_wait3A_66] : memref<25x80xi32, #tpu.memory_space<vmem>> -> memref<1x80xi32, #tpu.memory_space<vmem>>
          %dma_wait3A_68 = tpu.memref_squeeze %dma_wait3A_67 : memref<1x80xi32, #tpu.memory_space<vmem>> -> memref<80xi32, #tpu.memory_space<vmem>>
          %dma_wait3A_69 = arith.constant 0 : i32
          %dma_wait3A_70 = arith.constant 0 : i32
          %dma_wait3A_71 = tpu.memref_slice %arg12[%dma_wait3A_69, %dma_wait3A_70] : memref<10240x128xf32, #tpu.memory_space<vmem_shared>> -> memref<10240x128xf32, #tpu.memory_space<vmem_shared>>
          tpu.wait_indirect_dma semaphore(%run_scoped3A_59 : memref<!tpu.dma_semaphore, #tpu.memory_space<semaphore_mem>>) src(%arg9 : memref<80x128xf32, #tpu.memory_space<vmem>>) dst(%dma_wait3A_71 : memref<10240x128xf32, #tpu.memory_space<vmem_shared>>)
          tpu.yield
        }) : () -> ()
        %add3A_43 = arith.constant 2 : i32
        %add3A_44 = arith.addi %mul3A_28, %add3A_43 : i32
        %dma_start3A_45 = arith.constant 0 : i32
        %dma_start3A_46 = tpu.memref_slice %arg7[%add3A_44, %dma_start3A_45] : memref<25x80xi32, #tpu.memory_space<vmem>> -> memref<1x80xi32, #tpu.memory_space<vmem>>
        %dma_start3A_47 = tpu.memref_squeeze %dma_start3A_46 : memref<1x80xi32, #tpu.memory_space<vmem>> -> memref<80xi32, #tpu.memory_space<vmem>>
        %dma_start3A_48 = arith.constant 0 : i32
        %dma_start3A_49 = arith.constant 0 : i32
        %dma_start3A_50 = tpu.memref_slice %arg2[%dma_start3A_48, %dma_start3A_49] : memref<10000x128xf32, #tpu.memory_space<hbm>> -> memref<10000x128xf32, #tpu.memory_space<hbm>>
        tpu.enqueue_indirect_dma source(%dma_start3A_50 : memref<10000x128xf32, #tpu.memory_space<hbm>>) target(%arg9 : memref<80x128xf32, #tpu.memory_space<vmem>>) offsets(%dma_start3A_47 : memref<80xi32, #tpu.memory_space<vmem>>) semaphore(%arg11 : memref<!tpu.dma_semaphore, #tpu.memory_space<semaphore_mem>>)
        %dma_wait3A_51 = arith.constant 0 : i32
        %dma_wait3A_52 = arith.constant 0 : i32
        %dma_wait3A_53 = tpu.memref_slice %arg2[%dma_wait3A_51, %dma_wait3A_52] : memref<10000x128xf32, #tpu.memory_space<hbm>> -> memref<80x128xf32, #tpu.memory_space<hbm>>
        %dma_wait3A_54 = arith.constant 0 : i32
        %dma_wait3A_55 = arith.constant 0 : i32
        %dma_wait3A_56 = tpu.memref_slice %arg2[%dma_wait3A_54, %dma_wait3A_55] : memref<10000x128xf32, #tpu.memory_space<hbm>> -> memref<80x128xf32, #tpu.memory_space<hbm>>
        tpu.wait_dma2 semaphore(%arg11 : memref<!tpu.dma_semaphore, #tpu.memory_space<semaphore_mem>>) src(%dma_wait3A_56 : memref<80x128xf32, #tpu.memory_space<hbm>>) dst(%arg10 : memref<80x128xf32, #tpu.memory_space<vmem>>)
        %add3A_57 = arith.constant 1 : i32
        %add3A_58 = arith.addi %mul3A_28, %add3A_57 : i32
        "tpu.region"() ({
          %run_scoped3A_59 = tpu.sem_alloc : memref<!tpu.dma_semaphore, #tpu.memory_space<semaphore_mem>>
          %dma_start3A_60 = arith.constant 0 : i32
          %dma_start3A_61 = tpu.memref_slice %arg8[%add3A_58, %dma_start3A_60] : memref<25x80xi32, #tpu.memory_space<vmem>> -> memref<1x80xi32, #tpu.memory_space<vmem>>
          %dma_start3A_62 = tpu.memref_squeeze %dma_start3A_61 : memref<1x80xi32, #tpu.memory_space<vmem>> -> memref<80xi32, #tpu.memory_space<vmem>>
          %dma_start3A_63 = arith.constant 0 : i32
          %dma_start3A_64 = arith.constant 0 : i32
          %dma_start3A_65 = tpu.memref_slice %arg12[%dma_start3A_63, %dma_start3A_64] : memref<10240x128xf32, #tpu.memory_space<vmem_shared>> -> memref<10240x128xf32, #tpu.memory_space<vmem_shared>>
          tpu.enqueue_indirect_dma source(%arg10 : memref<80x128xf32, #tpu.memory_space<vmem>>) target(%dma_start3A_65 : memref<10240x128xf32, #tpu.memory_space<vmem_shared>>) offsets(%dma_start3A_62 : memref<80xi32, #tpu.memory_space<vmem>>) semaphore(%run_scoped3A_59 : memref<!tpu.dma_semaphore, #tpu.memory_space<semaphore_mem>>) {add = true}
          %dma_wait3A_66 = arith.constant 0 : i32
          %dma_wait3A_67 = tpu.memref_slice %arg8[%add3A_58, %dma_wait3A_66] : memref<25x80xi32, #tpu.memory_space<vmem>> -> memref<1x80xi32, #tpu.memory_space<vmem>>
          %dma_wait3A_68 = tpu.memref_squeeze %dma_wait3A_67 : memref<1x80xi32, #tpu.memory_space<vmem>> -> memref<80xi32, #tpu.memory_space<vmem>>
          %dma_wait3A_69 = arith.constant 0 : i32
          %dma_wait3A_70 = arith.constant 0 : i32
          %dma_wait3A_71 = tpu.memref_slice %arg12[%dma_wait3A_69, %dma_wait3A_70] : memref<10240x128xf32, #tpu.memory_space<vmem_shared>> -> memref<10240x128xf32, #tpu.memory_space<vmem_shared>>
          tpu.wait_indirect_dma semaphore(%run_scoped3A_59 : memref<!tpu.dma_semaphore, #tpu.memory_space<semaphore_mem>>) src(%arg10 : memref<80x128xf32, #tpu.memory_space<vmem>>) dst(%dma_wait3A_71 : memref<10240x128xf32, #tpu.memory_space<vmem_shared>>)
          tpu.yield
        }) : () -> ()
      }
      %scan3A_20 = arith.constant 12 : i32
      %dma_wait3A = arith.constant 0 : i32
      %dma_wait3A_21 = arith.constant 0 : i32
      %dma_wait3A_22 = tpu.memref_slice %arg2[%dma_wait3A, %dma_wait3A_21] : memref<10000x128xf32, #tpu.memory_space<hbm>> -> memref<80x128xf32, #tpu.memory_space<hbm>>
      %dma_wait3A_23 = arith.constant 0 : i32
      %dma_wait3A_24 = arith.constant 0 : i32
      %dma_wait3A_25 = tpu.memref_slice %arg2[%dma_wait3A_23, %dma_wait3A_24] : memref<10000x128xf32, #tpu.memory_space<hbm>> -> memref<80x128xf32, #tpu.memory_space<hbm>>
      tpu.wait_dma2 semaphore(%arg11 : memref<!tpu.dma_semaphore, #tpu.memory_space<semaphore_mem>>) src(%dma_wait3A_25 : memref<80x128xf32, #tpu.memory_space<hbm>>) dst(%arg9 : memref<80x128xf32, #tpu.memory_space<vmem>>)
      %run_scoped3A = arith.constant 24 : i32
      "tpu.region"() ({
        %run_scoped3A_26 = tpu.sem_alloc : memref<!tpu.dma_semaphore, #tpu.memory_space<semaphore_mem>>
        %dma_start3A_27 = arith.constant 0 : i32
        %dma_start3A_28 = tpu.memref_slice %arg8[%run_scoped3A, %dma_start3A_27] : memref<25x80xi32, #tpu.memory_space<vmem>> -> memref<1x80xi32, #tpu.memory_space<vmem>>
        %dma_start3A_29 = tpu.memref_squeeze %dma_start3A_28 : memref<1x80xi32, #tpu.memory_space<vmem>> -> memref<80xi32, #tpu.memory_space<vmem>>
        %dma_start3A_30 = arith.constant 0 : i32
        %dma_start3A_31 = arith.constant 0 : i32
        %dma_start3A_32 = tpu.memref_slice %arg12[%dma_start3A_30, %dma_start3A_31] : memref<10240x128xf32, #tpu.memory_space<vmem_shared>> -> memref<10240x128xf32, #tpu.memory_space<vmem_shared>>
        tpu.enqueue_indirect_dma source(%arg9 : memref<80x128xf32, #tpu.memory_space<vmem>>) target(%dma_start3A_32 : memref<10240x128xf32, #tpu.memory_space<vmem_shared>>) offsets(%dma_start3A_29 : memref<80xi32, #tpu.memory_space<vmem>>) semaphore(%run_scoped3A_26 : memref<!tpu.dma_semaphore, #tpu.memory_space<semaphore_mem>>) {add = true}
        %dma_wait3A_33 = arith.constant 0 : i32
        %dma_wait3A_34 = tpu.memref_slice %arg8[%run_scoped3A, %dma_wait3A_33] : memref<25x80xi32, #tpu.memory_space<vmem>> -> memref<1x80xi32, #tpu.memory_space<vmem>>
        %dma_wait3A_35 = tpu.memref_squeeze %dma_wait3A_34 : memref<1x80xi32, #tpu.memory_space<vmem>> -> memref<80xi32, #tpu.memory_space<vmem>>
        %dma_wait3A_36 = arith.constant 0 : i32
        %dma_wait3A_37 = arith.constant 0 : i32
        %dma_wait3A_38 = tpu.memref_slice %arg12[%dma_wait3A_36, %dma_wait3A_37] : memref<10240x128xf32, #tpu.memory_space<vmem_shared>> -> memref<10240x128xf32, #tpu.memory_space<vmem_shared>>
        tpu.wait_indirect_dma semaphore(%run_scoped3A_26 : memref<!tpu.dma_semaphore, #tpu.memory_space<semaphore_mem>>) src(%arg9 : memref<80x128xf32, #tpu.memory_space<vmem>>) dst(%dma_wait3A_38 : memref<10240x128xf32, #tpu.memory_space<vmem_shared>>)
        tpu.yield
      }) : () -> ()
    }
    %scan3A_7 = arith.constant 5 : i32
    %barrier3A_8 = arith.constant 0 : index
    tpu.barrier barrier_id(%barrier3A_8)
    "tpu.region"() ({
      %run_scoped3A = tpu.sem_alloc : memref<!tpu.dma_semaphore, #tpu.memory_space<semaphore_mem>>
      %dma_start3A = arith.constant 0 : i32
      %dma_start3A_9 = tpu.memref_slice %arg6[%arg0, %mul3A_2, %dma_start3A] : memref<2x10240x128xf32, #tpu.memory_space<hbm>> -> memref<1x640x128xf32, #tpu.memory_space<hbm>>
      %dma_start3A_10 = tpu.memref_squeeze %dma_start3A_9 : memref<1x640x128xf32, #tpu.memory_space<hbm>> -> memref<640x128xf32, #tpu.memory_space<hbm>>
      %dma_start3A_11 = arith.constant 0 : i32
      %dma_start3A_12 = tpu.memref_slice %arg12[%mul3A_2, %dma_start3A_11] : memref<10240x128xf32, #tpu.memory_space<vmem_shared>> -> memref<640x128xf32, #tpu.memory_space<vmem_shared>>
      tpu.enqueue_dma source(%dma_start3A_12 : memref<640x128xf32, #tpu.memory_space<vmem_shared>>) target(%dma_start3A_10 : memref<640x128xf32, #tpu.memory_space<hbm>>) target_semaphore(%run_scoped3A : memref<!tpu.dma_semaphore, #tpu.memory_space<semaphore_mem>>)
      %dma_wait3A = arith.constant 0 : i32
      %dma_wait3A_13 = tpu.memref_slice %arg6[%arg0, %mul3A_2, %dma_wait3A] : memref<2x10240x128xf32, #tpu.memory_space<hbm>> -> memref<1x640x128xf32, #tpu.memory_space<hbm>>
      %dma_wait3A_14 = tpu.memref_squeeze %dma_wait3A_13 : memref<1x640x128xf32, #tpu.memory_space<hbm>> -> memref<640x128xf32, #tpu.memory_space<hbm>>
      %dma_wait3A_15 = arith.constant 0 : i32
      %dma_wait3A_16 = tpu.memref_slice %arg12[%mul3A_2, %dma_wait3A_15] : memref<10240x128xf32, #tpu.memory_space<vmem_shared>> -> memref<640x128xf32, #tpu.memory_space<vmem_shared>>
      tpu.wait_dma2 semaphore(%run_scoped3A : memref<!tpu.dma_semaphore, #tpu.memory_space<semaphore_mem>>) src(%dma_wait3A_16 : memref<640x128xf32, #tpu.memory_space<vmem_shared>>) dst(%dma_wait3A_14 : memref<640x128xf32, #tpu.memory_space<hbm>>)
      tpu.yield
    }) : () -> ()
    return
  }
}

#map = affine_map<(d0, d1) -> (0, 0)>
#map1 = affine_map<(d0, d1) -> (0, 0, 0, 0)>
#map2 = affine_map<(d0, d1) -> (0, 0, 0)>
module attributes {stable_mosaic.version = 14 : i64} {
  func.func @_sc_agg_body(%arg0: i32, %arg1: i32, %arg2: memref<10000x128xf32, #tpu.memory_space<hbm>>, %arg3: memref<32x5x25x80xi32, #tpu.memory_space<hbm>>, %arg4: memref<32x5x25x80xi32, #tpu.memory_space<hbm>>, %arg5: memref<10240x128xf32, #tpu.memory_space<hbm>>, %arg6: memref<2x10240x128xf32, #tpu.memory_space<hbm>>, %arg7: memref<25x80xi32, #tpu.memory_space<vmem>>, %arg8: memref<25x80xi32, #tpu.memory_space<vmem>>, %arg9: memref<80x128xf32, #tpu.memory_space<vmem>>, %arg10: memref<80x128xf32, #tpu.memory_space<vmem>>, %arg11: memref<!tpu.dma_semaphore, #tpu.memory_space<semaphore_mem>>, %arg12: memref<10240x128xf32, #tpu.memory_space<vmem_shared>>) attributes {dimension_semantics = [#tpu.dimension_semantics<core_parallel>, #tpu.dimension_semantics<subcore_parallel>], iteration_bounds = array<i64: 2, 16>, scalar_prefetch = 0 : i64, scratch_operands = 6 : i64, tpu.core_type = #tpu.core_type<sc_vector_subcore>, window_params = [{transform_indices = #map}, {transform_indices = #map1}, {transform_indices = #map1}, {transform_indices = #map}, {transform_indices = #map2}]} {
    %mul3A = arith.constant 2 : i32
    %mul3A_0 = arith.muli %arg1, %mul3A : i32
    %add3A = arith.addi %mul3A_0, %arg0 : i32
    %mul3A_1 = arith.constant 640 : i32
    %mul3A_2 = arith.muli %arg1, %mul3A_1 : i32
    "tpu.region"() ({
      %run_scoped3A = tpu.sem_alloc : memref<!tpu.dma_semaphore, #tpu.memory_space<semaphore_mem>>
      %dma_start3A = arith.constant 0 : i32
      %dma_start3A_9 = tpu.memref_slice %arg12[%mul3A_2, %dma_start3A] : memref<10240x128xf32, #tpu.memory_space<vmem_shared>> -> memref<640x128xf32, #tpu.memory_space<vmem_shared>>
      %dma_start3A_10 = arith.constant 0 : i32
      %dma_start3A_11 = tpu.memref_slice %arg5[%mul3A_2, %dma_start3A_10] : memref<10240x128xf32, #tpu.memory_space<hbm>> -> memref<640x128xf32, #tpu.memory_space<hbm>>
      tpu.enqueue_dma source(%dma_start3A_11 : memref<640x128xf32, #tpu.memory_space<hbm>>) target(%dma_start3A_9 : memref<640x128xf32, #tpu.memory_space<vmem_shared>>) target_semaphore(%run_scoped3A : memref<!tpu.dma_semaphore, #tpu.memory_space<semaphore_mem>>)
      %dma_wait3A = arith.constant 0 : i32
      %dma_wait3A_12 = tpu.memref_slice %arg12[%mul3A_2, %dma_wait3A] : memref<10240x128xf32, #tpu.memory_space<vmem_shared>> -> memref<640x128xf32, #tpu.memory_space<vmem_shared>>
      %dma_wait3A_13 = arith.constant 0 : i32
      %dma_wait3A_14 = tpu.memref_slice %arg5[%mul3A_2, %dma_wait3A_13] : memref<10240x128xf32, #tpu.memory_space<hbm>> -> memref<640x128xf32, #tpu.memory_space<hbm>>
      tpu.wait_dma2 semaphore(%run_scoped3A : memref<!tpu.dma_semaphore, #tpu.memory_space<semaphore_mem>>) src(%dma_wait3A_14 : memref<640x128xf32, #tpu.memory_space<hbm>>) dst(%dma_wait3A_12 : memref<640x128xf32, #tpu.memory_space<vmem_shared>>)
      tpu.yield
    }) : () -> ()
    %barrier3A = arith.constant 0 : index
    tpu.barrier barrier_id(%barrier3A)
    %scan3A = arith.constant 0 : i32
    %scan3A_3 = arith.constant 0 : i32
    %scan3A_4 = arith.constant 5 : i32
    %scan3A_5 = arith.addi %scan3A_3, %scan3A_4 : i32
    %scan3A_6 = arith.constant 1 : i32
    scf.for %scan3A_9 = %scan3A_3 to %scan3A_5 step %scan3A_6  : i32 {
      "tpu.region"() ({
        %run_scoped3A_26 = tpu.sem_alloc : memref<!tpu.dma_semaphore, #tpu.memory_space<semaphore_mem>>
        %dma_start3A_27 = arith.constant 0 : i32
        %dma_start3A_28 = arith.constant 0 : i32
        %dma_start3A_29 = tpu.memref_slice %arg3[%add3A, %scan3A_9, %dma_start3A_27, %dma_start3A_28] : memref<32x5x25x80xi32, #tpu.memory_space<hbm>> -> memref<1x1x25x80xi32, #tpu.memory_space<hbm>>
        %dma_start3A_30 = tpu.memref_squeeze %dma_start3A_29 : memref<1x1x25x80xi32, #tpu.memory_space<hbm>> -> memref<25x80xi32, #tpu.memory_space<hbm>>
        %dma_start3A_31 = arith.constant 0 : i32
        %dma_start3A_32 = arith.constant 0 : i32
        %dma_start3A_33 = tpu.memref_slice %arg3[%add3A, %scan3A_9, %dma_start3A_31, %dma_start3A_32] : memref<32x5x25x80xi32, #tpu.memory_space<hbm>> -> memref<1x1x25x80xi32, #tpu.memory_space<hbm>>
        %dma_start3A_34 = tpu.memref_squeeze %dma_start3A_33 : memref<1x1x25x80xi32, #tpu.memory_space<hbm>> -> memref<25x80xi32, #tpu.memory_space<hbm>>
        tpu.enqueue_dma source(%dma_start3A_34 : memref<25x80xi32, #tpu.memory_space<hbm>>) target(%arg7 : memref<25x80xi32, #tpu.memory_space<vmem>>) target_semaphore(%run_scoped3A_26 : memref<!tpu.dma_semaphore, #tpu.memory_space<semaphore_mem>>)
        %dma_wait3A_35 = arith.constant 0 : i32
        %dma_wait3A_36 = arith.constant 0 : i32
        %dma_wait3A_37 = tpu.memref_slice %arg3[%add3A, %scan3A_9, %dma_wait3A_35, %dma_wait3A_36] : memref<32x5x25x80xi32, #tpu.memory_space<hbm>> -> memref<1x1x25x80xi32, #tpu.memory_space<hbm>>
        %dma_wait3A_38 = tpu.memref_squeeze %dma_wait3A_37 : memref<1x1x25x80xi32, #tpu.memory_space<hbm>> -> memref<25x80xi32, #tpu.memory_space<hbm>>
        %dma_wait3A_39 = arith.constant 0 : i32
        %dma_wait3A_40 = arith.constant 0 : i32
        %dma_wait3A_41 = tpu.memref_slice %arg3[%add3A, %scan3A_9, %dma_wait3A_39, %dma_wait3A_40] : memref<32x5x25x80xi32, #tpu.memory_space<hbm>> -> memref<1x1x25x80xi32, #tpu.memory_space<hbm>>
        %dma_wait3A_42 = tpu.memref_squeeze %dma_wait3A_41 : memref<1x1x25x80xi32, #tpu.memory_space<hbm>> -> memref<25x80xi32, #tpu.memory_space<hbm>>
        tpu.wait_dma2 semaphore(%run_scoped3A_26 : memref<!tpu.dma_semaphore, #tpu.memory_space<semaphore_mem>>) src(%dma_wait3A_42 : memref<25x80xi32, #tpu.memory_space<hbm>>) dst(%arg7 : memref<25x80xi32, #tpu.memory_space<vmem>>)
        tpu.yield
      }) : () -> ()
      "tpu.region"() ({
        %run_scoped3A_26 = tpu.sem_alloc : memref<!tpu.dma_semaphore, #tpu.memory_space<semaphore_mem>>
        %dma_start3A_27 = arith.constant 0 : i32
        %dma_start3A_28 = arith.constant 0 : i32
        %dma_start3A_29 = tpu.memref_slice %arg4[%add3A, %scan3A_9, %dma_start3A_27, %dma_start3A_28] : memref<32x5x25x80xi32, #tpu.memory_space<hbm>> -> memref<1x1x25x80xi32, #tpu.memory_space<hbm>>
        %dma_start3A_30 = tpu.memref_squeeze %dma_start3A_29 : memref<1x1x25x80xi32, #tpu.memory_space<hbm>> -> memref<25x80xi32, #tpu.memory_space<hbm>>
        %dma_start3A_31 = arith.constant 0 : i32
        %dma_start3A_32 = arith.constant 0 : i32
        %dma_start3A_33 = tpu.memref_slice %arg4[%add3A, %scan3A_9, %dma_start3A_31, %dma_start3A_32] : memref<32x5x25x80xi32, #tpu.memory_space<hbm>> -> memref<1x1x25x80xi32, #tpu.memory_space<hbm>>
        %dma_start3A_34 = tpu.memref_squeeze %dma_start3A_33 : memref<1x1x25x80xi32, #tpu.memory_space<hbm>> -> memref<25x80xi32, #tpu.memory_space<hbm>>
        tpu.enqueue_dma source(%dma_start3A_34 : memref<25x80xi32, #tpu.memory_space<hbm>>) target(%arg8 : memref<25x80xi32, #tpu.memory_space<vmem>>) target_semaphore(%run_scoped3A_26 : memref<!tpu.dma_semaphore, #tpu.memory_space<semaphore_mem>>)
        %dma_wait3A_35 = arith.constant 0 : i32
        %dma_wait3A_36 = arith.constant 0 : i32
        %dma_wait3A_37 = tpu.memref_slice %arg4[%add3A, %scan3A_9, %dma_wait3A_35, %dma_wait3A_36] : memref<32x5x25x80xi32, #tpu.memory_space<hbm>> -> memref<1x1x25x80xi32, #tpu.memory_space<hbm>>
        %dma_wait3A_38 = tpu.memref_squeeze %dma_wait3A_37 : memref<1x1x25x80xi32, #tpu.memory_space<hbm>> -> memref<25x80xi32, #tpu.memory_space<hbm>>
        %dma_wait3A_39 = arith.constant 0 : i32
        %dma_wait3A_40 = arith.constant 0 : i32
        %dma_wait3A_41 = tpu.memref_slice %arg4[%add3A, %scan3A_9, %dma_wait3A_39, %dma_wait3A_40] : memref<32x5x25x80xi32, #tpu.memory_space<hbm>> -> memref<1x1x25x80xi32, #tpu.memory_space<hbm>>
        %dma_wait3A_42 = tpu.memref_squeeze %dma_wait3A_41 : memref<1x1x25x80xi32, #tpu.memory_space<hbm>> -> memref<25x80xi32, #tpu.memory_space<hbm>>
        tpu.wait_dma2 semaphore(%run_scoped3A_26 : memref<!tpu.dma_semaphore, #tpu.memory_space<semaphore_mem>>) src(%dma_wait3A_42 : memref<25x80xi32, #tpu.memory_space<hbm>>) dst(%arg8 : memref<25x80xi32, #tpu.memory_space<vmem>>)
        tpu.yield
      }) : () -> ()
      %dma_start3A = arith.constant 0 : i32
      %dma_start3A_10 = arith.constant 0 : i32
      %dma_start3A_11 = tpu.memref_slice %arg7[%dma_start3A, %dma_start3A_10] : memref<25x80xi32, #tpu.memory_space<vmem>> -> memref<1x80xi32, #tpu.memory_space<vmem>>
      %dma_start3A_12 = tpu.memref_squeeze %dma_start3A_11 : memref<1x80xi32, #tpu.memory_space<vmem>> -> memref<80xi32, #tpu.memory_space<vmem>>
      %dma_start3A_13 = arith.constant 0 : i32
      %dma_start3A_14 = arith.constant 0 : i32
      %dma_start3A_15 = tpu.memref_slice %arg2[%dma_start3A_13, %dma_start3A_14] : memref<10000x128xf32, #tpu.memory_space<hbm>> -> memref<10000x128xf32, #tpu.memory_space<hbm>>
      tpu.enqueue_indirect_dma source(%dma_start3A_15 : memref<10000x128xf32, #tpu.memory_space<hbm>>) target(%arg9 : memref<80x128xf32, #tpu.memory_space<vmem>>) offsets(%dma_start3A_12 : memref<80xi32, #tpu.memory_space<vmem>>) semaphore(%arg11 : memref<!tpu.dma_semaphore, #tpu.memory_space<semaphore_mem>>)
      %scan3A_16 = arith.constant 0 : i32
      %scan3A_17 = arith.constant 12 : i32
      %scan3A_18 = arith.addi %scan3A_16, %scan3A_17 : i32
      %scan3A_19 = arith.constant 1 : i32
      scf.for %scan3A_26 = %scan3A_16 to %scan3A_18 step %scan3A_19  : i32 {
        %mul3A_27 = arith.constant 2 : i32
        %mul3A_28 = arith.muli %mul3A_27, %scan3A_26 : i32
        %add3A_29 = arith.constant 1 : i32
        %add3A_30 = arith.addi %mul3A_28, %add3A_29 : i32
        %dma_start3A_31 = arith.constant 0 : i32
        %dma_start3A_32 = tpu.memref_slice %arg7[%add3A_30, %dma_start3A_31] : memref<25x80xi32, #tpu.memory_space<vmem>> -> memref<1x80xi32, #tpu.memory_space<vmem>>
        %dma_start3A_33 = tpu.memref_squeeze %dma_start3A_32 : memref<1x80xi32, #tpu.memory_space<vmem>> -> memref<80xi32, #tpu.memory_space<vmem>>
        %dma_start3A_34 = arith.constant 0 : i32
        %dma_start3A_35 = arith.constant 0 : i32
        %dma_start3A_36 = tpu.memref_slice %arg2[%dma_start3A_34, %dma_start3A_35] : memref<10000x128xf32, #tpu.memory_space<hbm>> -> memref<10000x128xf32, #tpu.memory_space<hbm>>
        tpu.enqueue_indirect_dma source(%dma_start3A_36 : memref<10000x128xf32, #tpu.memory_space<hbm>>) target(%arg10 : memref<80x128xf32, #tpu.memory_space<vmem>>) offsets(%dma_start3A_33 : memref<80xi32, #tpu.memory_space<vmem>>) semaphore(%arg11 : memref<!tpu.dma_semaphore, #tpu.memory_space<semaphore_mem>>)
        %dma_wait3A_37 = arith.constant 0 : i32
        %dma_wait3A_38 = arith.constant 0 : i32
        %dma_wait3A_39 = tpu.memref_slice %arg2[%dma_wait3A_37, %dma_wait3A_38] : memref<10000x128xf32, #tpu.memory_space<hbm>> -> memref<80x128xf32, #tpu.memory_space<hbm>>
        %dma_wait3A_40 = arith.constant 0 : i32
        %dma_wait3A_41 = arith.constant 0 : i32
        %dma_wait3A_42 = tpu.memref_slice %arg2[%dma_wait3A_40, %dma_wait3A_41] : memref<10000x128xf32, #tpu.memory_space<hbm>> -> memref<80x128xf32, #tpu.memory_space<hbm>>
        tpu.wait_dma2 semaphore(%arg11 : memref<!tpu.dma_semaphore, #tpu.memory_space<semaphore_mem>>) src(%dma_wait3A_42 : memref<80x128xf32, #tpu.memory_space<hbm>>) dst(%arg9 : memref<80x128xf32, #tpu.memory_space<vmem>>)
        "tpu.region"() ({
          %run_scoped3A_59 = tpu.sem_alloc : memref<!tpu.dma_semaphore, #tpu.memory_space<semaphore_mem>>
          %dma_start3A_60 = arith.constant 0 : i32
          %dma_start3A_61 = tpu.memref_slice %arg8[%mul3A_28, %dma_start3A_60] : memref<25x80xi32, #tpu.memory_space<vmem>> -> memref<1x80xi32, #tpu.memory_space<vmem>>
          %dma_start3A_62 = tpu.memref_squeeze %dma_start3A_61 : memref<1x80xi32, #tpu.memory_space<vmem>> -> memref<80xi32, #tpu.memory_space<vmem>>
          %dma_start3A_63 = arith.constant 0 : i32
          %dma_start3A_64 = arith.constant 0 : i32
          %dma_start3A_65 = tpu.memref_slice %arg12[%dma_start3A_63, %dma_start3A_64] : memref<10240x128xf32, #tpu.memory_space<vmem_shared>> -> memref<10240x128xf32, #tpu.memory_space<vmem_shared>>
          tpu.enqueue_indirect_dma source(%arg9 : memref<80x128xf32, #tpu.memory_space<vmem>>) target(%dma_start3A_65 : memref<10240x128xf32, #tpu.memory_space<vmem_shared>>) offsets(%dma_start3A_62 : memref<80xi32, #tpu.memory_space<vmem>>) semaphore(%run_scoped3A_59 : memref<!tpu.dma_semaphore, #tpu.memory_space<semaphore_mem>>) {add = true}
          %dma_wait3A_66 = arith.constant 0 : i32
          %dma_wait3A_67 = tpu.memref_slice %arg8[%mul3A_28, %dma_wait3A_66] : memref<25x80xi32, #tpu.memory_space<vmem>> -> memref<1x80xi32, #tpu.memory_space<vmem>>
          %dma_wait3A_68 = tpu.memref_squeeze %dma_wait3A_67 : memref<1x80xi32, #tpu.memory_space<vmem>> -> memref<80xi32, #tpu.memory_space<vmem>>
          %dma_wait3A_69 = arith.constant 0 : i32
          %dma_wait3A_70 = arith.constant 0 : i32
          %dma_wait3A_71 = tpu.memref_slice %arg12[%dma_wait3A_69, %dma_wait3A_70] : memref<10240x128xf32, #tpu.memory_space<vmem_shared>> -> memref<10240x128xf32, #tpu.memory_space<vmem_shared>>
          tpu.wait_indirect_dma semaphore(%run_scoped3A_59 : memref<!tpu.dma_semaphore, #tpu.memory_space<semaphore_mem>>) src(%arg9 : memref<80x128xf32, #tpu.memory_space<vmem>>) dst(%dma_wait3A_71 : memref<10240x128xf32, #tpu.memory_space<vmem_shared>>)
          tpu.yield
        }) : () -> ()
        %add3A_43 = arith.constant 2 : i32
        %add3A_44 = arith.addi %mul3A_28, %add3A_43 : i32
        %dma_start3A_45 = arith.constant 0 : i32
        %dma_start3A_46 = tpu.memref_slice %arg7[%add3A_44, %dma_start3A_45] : memref<25x80xi32, #tpu.memory_space<vmem>> -> memref<1x80xi32, #tpu.memory_space<vmem>>
        %dma_start3A_47 = tpu.memref_squeeze %dma_start3A_46 : memref<1x80xi32, #tpu.memory_space<vmem>> -> memref<80xi32, #tpu.memory_space<vmem>>
        %dma_start3A_48 = arith.constant 0 : i32
        %dma_start3A_49 = arith.constant 0 : i32
        %dma_start3A_50 = tpu.memref_slice %arg2[%dma_start3A_48, %dma_start3A_49] : memref<10000x128xf32, #tpu.memory_space<hbm>> -> memref<10000x128xf32, #tpu.memory_space<hbm>>
        tpu.enqueue_indirect_dma source(%dma_start3A_50 : memref<10000x128xf32, #tpu.memory_space<hbm>>) target(%arg9 : memref<80x128xf32, #tpu.memory_space<vmem>>) offsets(%dma_start3A_47 : memref<80xi32, #tpu.memory_space<vmem>>) semaphore(%arg11 : memref<!tpu.dma_semaphore, #tpu.memory_space<semaphore_mem>>)
        %dma_wait3A_51 = arith.constant 0 : i32
        %dma_wait3A_52 = arith.constant 0 : i32
        %dma_wait3A_53 = tpu.memref_slice %arg2[%dma_wait3A_51, %dma_wait3A_52] : memref<10000x128xf32, #tpu.memory_space<hbm>> -> memref<80x128xf32, #tpu.memory_space<hbm>>
        %dma_wait3A_54 = arith.constant 0 : i32
        %dma_wait3A_55 = arith.constant 0 : i32
        %dma_wait3A_56 = tpu.memref_slice %arg2[%dma_wait3A_54, %dma_wait3A_55] : memref<10000x128xf32, #tpu.memory_space<hbm>> -> memref<80x128xf32, #tpu.memory_space<hbm>>
        tpu.wait_dma2 semaphore(%arg11 : memref<!tpu.dma_semaphore, #tpu.memory_space<semaphore_mem>>) src(%dma_wait3A_56 : memref<80x128xf32, #tpu.memory_space<hbm>>) dst(%arg10 : memref<80x128xf32, #tpu.memory_space<vmem>>)
        %add3A_57 = arith.constant 1 : i32
        %add3A_58 = arith.addi %mul3A_28, %add3A_57 : i32
        "tpu.region"() ({
          %run_scoped3A_59 = tpu.sem_alloc : memref<!tpu.dma_semaphore, #tpu.memory_space<semaphore_mem>>
          %dma_start3A_60 = arith.constant 0 : i32
          %dma_start3A_61 = tpu.memref_slice %arg8[%add3A_58, %dma_start3A_60] : memref<25x80xi32, #tpu.memory_space<vmem>> -> memref<1x80xi32, #tpu.memory_space<vmem>>
          %dma_start3A_62 = tpu.memref_squeeze %dma_start3A_61 : memref<1x80xi32, #tpu.memory_space<vmem>> -> memref<80xi32, #tpu.memory_space<vmem>>
          %dma_start3A_63 = arith.constant 0 : i32
          %dma_start3A_64 = arith.constant 0 : i32
          %dma_start3A_65 = tpu.memref_slice %arg12[%dma_start3A_63, %dma_start3A_64] : memref<10240x128xf32, #tpu.memory_space<vmem_shared>> -> memref<10240x128xf32, #tpu.memory_space<vmem_shared>>
          tpu.enqueue_indirect_dma source(%arg10 : memref<80x128xf32, #tpu.memory_space<vmem>>) target(%dma_start3A_65 : memref<10240x128xf32, #tpu.memory_space<vmem_shared>>) offsets(%dma_start3A_62 : memref<80xi32, #tpu.memory_space<vmem>>) semaphore(%run_scoped3A_59 : memref<!tpu.dma_semaphore, #tpu.memory_space<semaphore_mem>>) {add = true}
          %dma_wait3A_66 = arith.constant 0 : i32
          %dma_wait3A_67 = tpu.memref_slice %arg8[%add3A_58, %dma_wait3A_66] : memref<25x80xi32, #tpu.memory_space<vmem>> -> memref<1x80xi32, #tpu.memory_space<vmem>>
          %dma_wait3A_68 = tpu.memref_squeeze %dma_wait3A_67 : memref<1x80xi32, #tpu.memory_space<vmem>> -> memref<80xi32, #tpu.memory_space<vmem>>
          %dma_wait3A_69 = arith.constant 0 : i32
          %dma_wait3A_70 = arith.constant 0 : i32
          %dma_wait3A_71 = tpu.memref_slice %arg12[%dma_wait3A_69, %dma_wait3A_70] : memref<10240x128xf32, #tpu.memory_space<vmem_shared>> -> memref<10240x128xf32, #tpu.memory_space<vmem_shared>>
          tpu.wait_indirect_dma semaphore(%run_scoped3A_59 : memref<!tpu.dma_semaphore, #tpu.memory_space<semaphore_mem>>) src(%arg10 : memref<80x128xf32, #tpu.memory_space<vmem>>) dst(%dma_wait3A_71 : memref<10240x128xf32, #tpu.memory_space<vmem_shared>>)
          tpu.yield
        }) : () -> ()
      }
      %scan3A_20 = arith.constant 12 : i32
      %dma_wait3A = arith.constant 0 : i32
      %dma_wait3A_21 = arith.constant 0 : i32
      %dma_wait3A_22 = tpu.memref_slice %arg2[%dma_wait3A, %dma_wait3A_21] : memref<10000x128xf32, #tpu.memory_space<hbm>> -> memref<80x128xf32, #tpu.memory_space<hbm>>
      %dma_wait3A_23 = arith.constant 0 : i32
      %dma_wait3A_24 = arith.constant 0 : i32
      %dma_wait3A_25 = tpu.memref_slice %arg2[%dma_wait3A_23, %dma_wait3A_24] : memref<10000x128xf32, #tpu.memory_space<hbm>> -> memref<80x128xf32, #tpu.memory_space<hbm>>
      tpu.wait_dma2 semaphore(%arg11 : memref<!tpu.dma_semaphore, #tpu.memory_space<semaphore_mem>>) src(%dma_wait3A_25 : memref<80x128xf32, #tpu.memory_space<hbm>>) dst(%arg9 : memref<80x128xf32, #tpu.memory_space<vmem>>)
      %run_scoped3A = arith.constant 24 : i32
      "tpu.region"() ({
        %run_scoped3A_26 = tpu.sem_alloc : memref<!tpu.dma_semaphore, #tpu.memory_space<semaphore_mem>>
        %dma_start3A_27 = arith.constant 0 : i32
        %dma_start3A_28 = tpu.memref_slice %arg8[%run_scoped3A, %dma_start3A_27] : memref<25x80xi32, #tpu.memory_space<vmem>> -> memref<1x80xi32, #tpu.memory_space<vmem>>
        %dma_start3A_29 = tpu.memref_squeeze %dma_start3A_28 : memref<1x80xi32, #tpu.memory_space<vmem>> -> memref<80xi32, #tpu.memory_space<vmem>>
        %dma_start3A_30 = arith.constant 0 : i32
        %dma_start3A_31 = arith.constant 0 : i32
        %dma_start3A_32 = tpu.memref_slice %arg12[%dma_start3A_30, %dma_start3A_31] : memref<10240x128xf32, #tpu.memory_space<vmem_shared>> -> memref<10240x128xf32, #tpu.memory_space<vmem_shared>>
        tpu.enqueue_indirect_dma source(%arg9 : memref<80x128xf32, #tpu.memory_space<vmem>>) target(%dma_start3A_32 : memref<10240x128xf32, #tpu.memory_space<vmem_shared>>) offsets(%dma_start3A_29 : memref<80xi32, #tpu.memory_space<vmem>>) semaphore(%run_scoped3A_26 : memref<!tpu.dma_semaphore, #tpu.memory_space<semaphore_mem>>) {add = true}
        %dma_wait3A_33 = arith.constant 0 : i32
        %dma_wait3A_34 = tpu.memref_slice %arg8[%run_scoped3A, %dma_wait3A_33] : memref<25x80xi32, #tpu.memory_space<vmem>> -> memref<1x80xi32, #tpu.memory_space<vmem>>
        %dma_wait3A_35 = tpu.memref_squeeze %dma_wait3A_34 : memref<1x80xi32, #tpu.memory_space<vmem>> -> memref<80xi32, #tpu.memory_space<vmem>>
        %dma_wait3A_36 = arith.constant 0 : i32
        %dma_wait3A_37 = arith.constant 0 : i32
        %dma_wait3A_38 = tpu.memref_slice %arg12[%dma_wait3A_36, %dma_wait3A_37] : memref<10240x128xf32, #tpu.memory_space<vmem_shared>> -> memref<10240x128xf32, #tpu.memory_space<vmem_shared>>
        tpu.wait_indirect_dma semaphore(%run_scoped3A_26 : memref<!tpu.dma_semaphore, #tpu.memory_space<semaphore_mem>>) src(%arg9 : memref<80x128xf32, #tpu.memory_space<vmem>>) dst(%dma_wait3A_38 : memref<10240x128xf32, #tpu.memory_space<vmem_shared>>)
        tpu.yield
      }) : () -> ()
    }
    %scan3A_7 = arith.constant 5 : i32
    %barrier3A_8 = arith.constant 0 : index
    tpu.barrier barrier_id(%barrier3A_8)
    "tpu.region"() ({
      %run_scoped3A = tpu.sem_alloc : memref<!tpu.dma_semaphore, #tpu.memory_space<semaphore_mem>>
      %dma_start3A = arith.constant 0 : i32
      %dma_start3A_9 = tpu.memref_slice %arg6[%arg0, %mul3A_2, %dma_start3A] : memref<2x10240x128xf32, #tpu.memory_space<hbm>> -> memref<1x640x128xf32, #tpu.memory_space<hbm>>
      %dma_start3A_10 = tpu.memref_squeeze %dma_start3A_9 : memref<1x640x128xf32, #tpu.memory_space<hbm>> -> memref<640x128xf32, #tpu.memory_space<hbm>>
      %dma_start3A_11 = arith.constant 0 : i32
      %dma_start3A_12 = tpu.memref_slice %arg12[%mul3A_2, %dma_start3A_11] : memref<10240x128xf32, #tpu.memory_space<vmem_shared>> -> memref<640x128xf32, #tpu.memory_space<vmem_shared>>
      tpu.enqueue_dma source(%dma_start3A_12 : memref<640x128xf32, #tpu.memory_space<vmem_shared>>) target(%dma_start3A_10 : memref<640x128xf32, #tpu.memory_space<hbm>>) target_semaphore(%run_scoped3A : memref<!tpu.dma_semaphore, #tpu.memory_space<semaphore_mem>>)
      %dma_wait3A = arith.constant 0 : i32
      %dma_wait3A_13 = tpu.memref_slice %arg6[%arg0, %mul3A_2, %dma_wait3A] : memref<2x10240x128xf32, #tpu.memory_space<hbm>> -> memref<1x640x128xf32, #tpu.memory_space<hbm>>
      %dma_wait3A_14 = tpu.memref_squeeze %dma_wait3A_13 : memref<1x640x128xf32, #tpu.memory_space<hbm>> -> memref<640x128xf32, #tpu.memory_space<hbm>>
      %dma_wait3A_15 = arith.constant 0 : i32
      %dma_wait3A_16 = tpu.memref_slice %arg12[%mul3A_2, %dma_wait3A_15] : memref<10240x128xf32, #tpu.memory_space<vmem_shared>> -> memref<640x128xf32, #tpu.memory_space<vmem_shared>>
      tpu.wait_dma2 semaphore(%run_scoped3A : memref<!tpu.dma_semaphore, #tpu.memory_space<semaphore_mem>>) src(%dma_wait3A_16 : memref<640x128xf32, #tpu.memory_space<vmem_shared>>) dst(%dma_wait3A_14 : memref<640x128xf32, #tpu.memory_space<hbm>>)
      tpu.yield
    }) : () -> ()
    return
  }
}

#map = affine_map<(d0, d1) -> (0, 0, 0, 0)>
#map1 = affine_map<(d0, d1) -> (0, 0)>
#map2 = affine_map<(d0, d1) -> (0, 0, 0)>
module attributes {stable_mosaic.version = 14 : i64} {
  func.func @_sc_deg_body(%arg0: i32, %arg1: i32, %arg2: memref<32x5x25x80xi32, #tpu.memory_space<hbm>>, %arg3: memref<10240x128xf32, #tpu.memory_space<hbm>>, %arg4: memref<80x128xf32, #tpu.memory_space<hbm>>, %arg5: memref<2x10240x128xf32, #tpu.memory_space<hbm>>, %arg6: memref<25x80xi32, #tpu.memory_space<vmem>>, %arg7: memref<80x128xf32, #tpu.memory_space<vmem>>, %arg8: memref<10240x128xf32, #tpu.memory_space<vmem_shared>>) attributes {dimension_semantics = [#tpu.dimension_semantics<core_parallel>, #tpu.dimension_semantics<subcore_parallel>], iteration_bounds = array<i64: 2, 16>, scalar_prefetch = 0 : i64, scratch_operands = 3 : i64, tpu.core_type = #tpu.core_type<sc_vector_subcore>, window_params = [{transform_indices = #map}, {transform_indices = #map1}, {transform_indices = #map1}, {transform_indices = #map2}]} {
    %mul3A = arith.constant 2 : i32
    %mul3A_0 = arith.muli %arg1, %mul3A : i32
    %add3A = arith.addi %mul3A_0, %arg0 : i32
    %mul3A_1 = arith.constant 640 : i32
    %mul3A_2 = arith.muli %arg1, %mul3A_1 : i32
    "tpu.region"() ({
      %run_scoped3A = tpu.sem_alloc : memref<!tpu.dma_semaphore, #tpu.memory_space<semaphore_mem>>
      %dma_start3A = arith.constant 0 : i32
      %dma_start3A_9 = tpu.memref_slice %arg8[%mul3A_2, %dma_start3A] : memref<10240x128xf32, #tpu.memory_space<vmem_shared>> -> memref<640x128xf32, #tpu.memory_space<vmem_shared>>
      %dma_start3A_10 = arith.constant 0 : i32
      %dma_start3A_11 = tpu.memref_slice %arg3[%mul3A_2, %dma_start3A_10] : memref<10240x128xf32, #tpu.memory_space<hbm>> -> memref<640x128xf32, #tpu.memory_space<hbm>>
      tpu.enqueue_dma source(%dma_start3A_11 : memref<640x128xf32, #tpu.memory_space<hbm>>) target(%dma_start3A_9 : memref<640x128xf32, #tpu.memory_space<vmem_shared>>) target_semaphore(%run_scoped3A : memref<!tpu.dma_semaphore, #tpu.memory_space<semaphore_mem>>)
      %dma_wait3A = arith.constant 0 : i32
      %dma_wait3A_12 = tpu.memref_slice %arg8[%mul3A_2, %dma_wait3A] : memref<10240x128xf32, #tpu.memory_space<vmem_shared>> -> memref<640x128xf32, #tpu.memory_space<vmem_shared>>
      %dma_wait3A_13 = arith.constant 0 : i32
      %dma_wait3A_14 = tpu.memref_slice %arg3[%mul3A_2, %dma_wait3A_13] : memref<10240x128xf32, #tpu.memory_space<hbm>> -> memref<640x128xf32, #tpu.memory_space<hbm>>
      tpu.wait_dma2 semaphore(%run_scoped3A : memref<!tpu.dma_semaphore, #tpu.memory_space<semaphore_mem>>) src(%dma_wait3A_14 : memref<640x128xf32, #tpu.memory_space<hbm>>) dst(%dma_wait3A_12 : memref<640x128xf32, #tpu.memory_space<vmem_shared>>)
      tpu.yield
    }) : () -> ()
    "tpu.region"() ({
      %run_scoped3A = tpu.sem_alloc : memref<!tpu.dma_semaphore, #tpu.memory_space<semaphore_mem>>
      tpu.enqueue_dma source(%arg4 : memref<80x128xf32, #tpu.memory_space<hbm>>) target(%arg7 : memref<80x128xf32, #tpu.memory_space<vmem>>) target_semaphore(%run_scoped3A : memref<!tpu.dma_semaphore, #tpu.memory_space<semaphore_mem>>)
      tpu.wait_dma2 semaphore(%run_scoped3A : memref<!tpu.dma_semaphore, #tpu.memory_space<semaphore_mem>>) src(%arg4 : memref<80x128xf32, #tpu.memory_space<hbm>>) dst(%arg7 : memref<80x128xf32, #tpu.memory_space<vmem>>)
      tpu.yield
    }) : () -> ()
    %barrier3A = arith.constant 0 : index
    tpu.barrier barrier_id(%barrier3A)
    %scan3A = arith.constant 0 : i32
    %scan3A_3 = arith.constant 0 : i32
    %scan3A_4 = arith.constant 5 : i32
    %scan3A_5 = arith.addi %scan3A_3, %scan3A_4 : i32
    %scan3A_6 = arith.constant 1 : i32
    scf.for %scan3A_9 = %scan3A_3 to %scan3A_5 step %scan3A_6  : i32 {
      "tpu.region"() ({
        %run_scoped3A = tpu.sem_alloc : memref<!tpu.dma_semaphore, #tpu.memory_space<semaphore_mem>>
        %dma_start3A = arith.constant 0 : i32
        %dma_start3A_15 = arith.constant 0 : i32
        %dma_start3A_16 = tpu.memref_slice %arg2[%add3A, %scan3A_9, %dma_start3A, %dma_start3A_15] : memref<32x5x25x80xi32, #tpu.memory_space<hbm>> -> memref<1x1x25x80xi32, #tpu.memory_space<hbm>>
        %dma_start3A_17 = tpu.memref_squeeze %dma_start3A_16 : memref<1x1x25x80xi32, #tpu.memory_space<hbm>> -> memref<25x80xi32, #tpu.memory_space<hbm>>
        %dma_start3A_18 = arith.constant 0 : i32
        %dma_start3A_19 = arith.constant 0 : i32
        %dma_start3A_20 = tpu.memref_slice %arg2[%add3A, %scan3A_9, %dma_start3A_18, %dma_start3A_19] : memref<32x5x25x80xi32, #tpu.memory_space<hbm>> -> memref<1x1x25x80xi32, #tpu.memory_space<hbm>>
        %dma_start3A_21 = tpu.memref_squeeze %dma_start3A_20 : memref<1x1x25x80xi32, #tpu.memory_space<hbm>> -> memref<25x80xi32, #tpu.memory_space<hbm>>
        tpu.enqueue_dma source(%dma_start3A_21 : memref<25x80xi32, #tpu.memory_space<hbm>>) target(%arg6 : memref<25x80xi32, #tpu.memory_space<vmem>>) target_semaphore(%run_scoped3A : memref<!tpu.dma_semaphore, #tpu.memory_space<semaphore_mem>>)
        %dma_wait3A = arith.constant 0 : i32
        %dma_wait3A_22 = arith.constant 0 : i32
        %dma_wait3A_23 = tpu.memref_slice %arg2[%add3A, %scan3A_9, %dma_wait3A, %dma_wait3A_22] : memref<32x5x25x80xi32, #tpu.memory_space<hbm>> -> memref<1x1x25x80xi32, #tpu.memory_space<hbm>>
        %dma_wait3A_24 = tpu.memref_squeeze %dma_wait3A_23 : memref<1x1x25x80xi32, #tpu.memory_space<hbm>> -> memref<25x80xi32, #tpu.memory_space<hbm>>
        %dma_wait3A_25 = arith.constant 0 : i32
        %dma_wait3A_26 = arith.constant 0 : i32
        %dma_wait3A_27 = tpu.memref_slice %arg2[%add3A, %scan3A_9, %dma_wait3A_25, %dma_wait3A_26] : memref<32x5x25x80xi32, #tpu.memory_space<hbm>> -> memref<1x1x25x80xi32, #tpu.memory_space<hbm>>
        %dma_wait3A_28 = tpu.memref_squeeze %dma_wait3A_27 : memref<1x1x25x80xi32, #tpu.memory_space<hbm>> -> memref<25x80xi32, #tpu.memory_space<hbm>>
        tpu.wait_dma2 semaphore(%run_scoped3A : memref<!tpu.dma_semaphore, #tpu.memory_space<semaphore_mem>>) src(%dma_wait3A_28 : memref<25x80xi32, #tpu.memory_space<hbm>>) dst(%arg6 : memref<25x80xi32, #tpu.memory_space<vmem>>)
        tpu.yield
      }) : () -> ()
      %scan3A_10 = arith.constant 0 : i32
      %scan3A_11 = arith.constant 25 : i32
      %scan3A_12 = arith.addi %scan3A_10, %scan3A_11 : i32
      %scan3A_13 = arith.constant 1 : i32
      scf.for %scan3A_15 = %scan3A_10 to %scan3A_12 step %scan3A_13  : i32 {
        "tpu.region"() ({
          %run_scoped3A = tpu.sem_alloc : memref<!tpu.dma_semaphore, #tpu.memory_space<semaphore_mem>>
          %dma_start3A = arith.constant 0 : i32
          %dma_start3A_16 = tpu.memref_slice %arg6[%scan3A_15, %dma_start3A] : memref<25x80xi32, #tpu.memory_space<vmem>> -> memref<1x80xi32, #tpu.memory_space<vmem>>
          %dma_start3A_17 = tpu.memref_squeeze %dma_start3A_16 : memref<1x80xi32, #tpu.memory_space<vmem>> -> memref<80xi32, #tpu.memory_space<vmem>>
          %dma_start3A_18 = arith.constant 0 : i32
          %dma_start3A_19 = arith.constant 0 : i32
          %dma_start3A_20 = tpu.memref_slice %arg8[%dma_start3A_18, %dma_start3A_19] : memref<10240x128xf32, #tpu.memory_space<vmem_shared>> -> memref<10240x128xf32, #tpu.memory_space<vmem_shared>>
          tpu.enqueue_indirect_dma source(%arg7 : memref<80x128xf32, #tpu.memory_space<vmem>>) target(%dma_start3A_20 : memref<10240x128xf32, #tpu.memory_space<vmem_shared>>) offsets(%dma_start3A_17 : memref<80xi32, #tpu.memory_space<vmem>>) semaphore(%run_scoped3A : memref<!tpu.dma_semaphore, #tpu.memory_space<semaphore_mem>>) {add = true}
          %dma_wait3A = arith.constant 0 : i32
          %dma_wait3A_21 = tpu.memref_slice %arg6[%scan3A_15, %dma_wait3A] : memref<25x80xi32, #tpu.memory_space<vmem>> -> memref<1x80xi32, #tpu.memory_space<vmem>>
          %dma_wait3A_22 = tpu.memref_squeeze %dma_wait3A_21 : memref<1x80xi32, #tpu.memory_space<vmem>> -> memref<80xi32, #tpu.memory_space<vmem>>
          %dma_wait3A_23 = arith.constant 0 : i32
          %dma_wait3A_24 = arith.constant 0 : i32
          %dma_wait3A_25 = tpu.memref_slice %arg8[%dma_wait3A_23, %dma_wait3A_24] : memref<10240x128xf32, #tpu.memory_space<vmem_shared>> -> memref<10240x128xf32, #tpu.memory_space<vmem_shared>>
          tpu.wait_indirect_dma semaphore(%run_scoped3A : memref<!tpu.dma_semaphore, #tpu.memory_space<semaphore_mem>>) src(%arg7 : memref<80x128xf32, #tpu.memory_space<vmem>>) dst(%dma_wait3A_25 : memref<10240x128xf32, #tpu.memory_space<vmem_shared>>)
          tpu.yield
        }) : () -> ()
      }
      %scan3A_14 = arith.constant 25 : i32
    }
    %scan3A_7 = arith.constant 5 : i32
    %barrier3A_8 = arith.constant 0 : index
    tpu.barrier barrier_id(%barrier3A_8)
    "tpu.region"() ({
      %run_scoped3A = tpu.sem_alloc : memref<!tpu.dma_semaphore, #tpu.memory_space<semaphore_mem>>
      %dma_start3A = arith.constant 0 : i32
      %dma_start3A_9 = tpu.memref_slice %arg5[%arg0, %mul3A_2, %dma_start3A] : memref<2x10240x128xf32, #tpu.memory_space<hbm>> -> memref<1x640x128xf32, #tpu.memory_space<hbm>>
      %dma_start3A_10 = tpu.memref_squeeze %dma_start3A_9 : memref<1x640x128xf32, #tpu.memory_space<hbm>> -> memref<640x128xf32, #tpu.memory_space<hbm>>
      %dma_start3A_11 = arith.constant 0 : i32
      %dma_start3A_12 = tpu.memref_slice %arg8[%mul3A_2, %dma_start3A_11] : memref<10240x128xf32, #tpu.memory_space<vmem_shared>> -> memref<640x128xf32, #tpu.memory_space<vmem_shared>>
      tpu.enqueue_dma source(%dma_start3A_12 : memref<640x128xf32, #tpu.memory_space<vmem_shared>>) target(%dma_start3A_10 : memref<640x128xf32, #tpu.memory_space<hbm>>) target_semaphore(%run_scoped3A : memref<!tpu.dma_semaphore, #tpu.memory_space<semaphore_mem>>)
      %dma_wait3A = arith.constant 0 : i32
      %dma_wait3A_13 = tpu.memref_slice %arg5[%arg0, %mul3A_2, %dma_wait3A] : memref<2x10240x128xf32, #tpu.memory_space<hbm>> -> memref<1x640x128xf32, #tpu.memory_space<hbm>>
      %dma_wait3A_14 = tpu.memref_squeeze %dma_wait3A_13 : memref<1x640x128xf32, #tpu.memory_space<hbm>> -> memref<640x128xf32, #tpu.memory_space<hbm>>
      %dma_wait3A_15 = arith.constant 0 : i32
      %dma_wait3A_16 = tpu.memref_slice %arg8[%mul3A_2, %dma_wait3A_15] : memref<10240x128xf32, #tpu.memory_space<vmem_shared>> -> memref<640x128xf32, #tpu.memory_space<vmem_shared>>
      tpu.wait_dma2 semaphore(%run_scoped3A : memref<!tpu.dma_semaphore, #tpu.memory_space<semaphore_mem>>) src(%dma_wait3A_16 : memref<640x128xf32, #tpu.memory_space<vmem_shared>>) dst(%dma_wait3A_14 : memref<640x128xf32, #tpu.memory_space<hbm>>)
      tpu.yield
    }) : () -> ()
    return
  }
}

#map = affine_map<(d0, d1) -> (0, 0)>
#map1 = affine_map<(d0, d1) -> (0, 0, 0, 0)>
#map2 = affine_map<(d0, d1) -> (0, 0, 0)>
module attributes {stable_mosaic.version = 14 : i64} {
  func.func @_sc_agg_body(%arg0: i32, %arg1: i32, %arg2: memref<10000x128xf32, #tpu.memory_space<hbm>>, %arg3: memref<32x5x25x80xi32, #tpu.memory_space<hbm>>, %arg4: memref<32x5x25x80xi32, #tpu.memory_space<hbm>>, %arg5: memref<10240x128xf32, #tpu.memory_space<hbm>>, %arg6: memref<2x10240x128xf32, #tpu.memory_space<hbm>>, %arg7: memref<25x80xi32, #tpu.memory_space<vmem>>, %arg8: memref<25x80xi32, #tpu.memory_space<vmem>>, %arg9: memref<80x128xf32, #tpu.memory_space<vmem>>, %arg10: memref<80x128xf32, #tpu.memory_space<vmem>>, %arg11: memref<!tpu.dma_semaphore, #tpu.memory_space<semaphore_mem>>, %arg12: memref<10240x128xf32, #tpu.memory_space<vmem_shared>>) attributes {dimension_semantics = [#tpu.dimension_semantics<core_parallel>, #tpu.dimension_semantics<subcore_parallel>], iteration_bounds = array<i64: 2, 16>, scalar_prefetch = 0 : i64, scratch_operands = 6 : i64, tpu.core_type = #tpu.core_type<sc_vector_subcore>, window_params = [{transform_indices = #map}, {transform_indices = #map1}, {transform_indices = #map1}, {transform_indices = #map}, {transform_indices = #map2}]} {
    %mul3A = arith.constant 2 : i32
    %mul3A_0 = arith.muli %arg1, %mul3A : i32
    %add3A = arith.addi %mul3A_0, %arg0 : i32
    %mul3A_1 = arith.constant 640 : i32
    %mul3A_2 = arith.muli %arg1, %mul3A_1 : i32
    "tpu.region"() ({
      %run_scoped3A = tpu.sem_alloc : memref<!tpu.dma_semaphore, #tpu.memory_space<semaphore_mem>>
      %dma_start3A = arith.constant 0 : i32
      %dma_start3A_9 = tpu.memref_slice %arg12[%mul3A_2, %dma_start3A] : memref<10240x128xf32, #tpu.memory_space<vmem_shared>> -> memref<640x128xf32, #tpu.memory_space<vmem_shared>>
      %dma_start3A_10 = arith.constant 0 : i32
      %dma_start3A_11 = tpu.memref_slice %arg5[%mul3A_2, %dma_start3A_10] : memref<10240x128xf32, #tpu.memory_space<hbm>> -> memref<640x128xf32, #tpu.memory_space<hbm>>
      tpu.enqueue_dma source(%dma_start3A_11 : memref<640x128xf32, #tpu.memory_space<hbm>>) target(%dma_start3A_9 : memref<640x128xf32, #tpu.memory_space<vmem_shared>>) target_semaphore(%run_scoped3A : memref<!tpu.dma_semaphore, #tpu.memory_space<semaphore_mem>>)
      %dma_wait3A = arith.constant 0 : i32
      %dma_wait3A_12 = tpu.memref_slice %arg12[%mul3A_2, %dma_wait3A] : memref<10240x128xf32, #tpu.memory_space<vmem_shared>> -> memref<640x128xf32, #tpu.memory_space<vmem_shared>>
      %dma_wait3A_13 = arith.constant 0 : i32
      %dma_wait3A_14 = tpu.memref_slice %arg5[%mul3A_2, %dma_wait3A_13] : memref<10240x128xf32, #tpu.memory_space<hbm>> -> memref<640x128xf32, #tpu.memory_space<hbm>>
      tpu.wait_dma2 semaphore(%run_scoped3A : memref<!tpu.dma_semaphore, #tpu.memory_space<semaphore_mem>>) src(%dma_wait3A_14 : memref<640x128xf32, #tpu.memory_space<hbm>>) dst(%dma_wait3A_12 : memref<640x128xf32, #tpu.memory_space<vmem_shared>>)
      tpu.yield
    }) : () -> ()
    %barrier3A = arith.constant 0 : index
    tpu.barrier barrier_id(%barrier3A)
    %scan3A = arith.constant 0 : i32
    %scan3A_3 = arith.constant 0 : i32
    %scan3A_4 = arith.constant 5 : i32
    %scan3A_5 = arith.addi %scan3A_3, %scan3A_4 : i32
    %scan3A_6 = arith.constant 1 : i32
    scf.for %scan3A_9 = %scan3A_3 to %scan3A_5 step %scan3A_6  : i32 {
      "tpu.region"() ({
        %run_scoped3A_26 = tpu.sem_alloc : memref<!tpu.dma_semaphore, #tpu.memory_space<semaphore_mem>>
        %dma_start3A_27 = arith.constant 0 : i32
        %dma_start3A_28 = arith.constant 0 : i32
        %dma_start3A_29 = tpu.memref_slice %arg3[%add3A, %scan3A_9, %dma_start3A_27, %dma_start3A_28] : memref<32x5x25x80xi32, #tpu.memory_space<hbm>> -> memref<1x1x25x80xi32, #tpu.memory_space<hbm>>
        %dma_start3A_30 = tpu.memref_squeeze %dma_start3A_29 : memref<1x1x25x80xi32, #tpu.memory_space<hbm>> -> memref<25x80xi32, #tpu.memory_space<hbm>>
        %dma_start3A_31 = arith.constant 0 : i32
        %dma_start3A_32 = arith.constant 0 : i32
        %dma_start3A_33 = tpu.memref_slice %arg3[%add3A, %scan3A_9, %dma_start3A_31, %dma_start3A_32] : memref<32x5x25x80xi32, #tpu.memory_space<hbm>> -> memref<1x1x25x80xi32, #tpu.memory_space<hbm>>
        %dma_start3A_34 = tpu.memref_squeeze %dma_start3A_33 : memref<1x1x25x80xi32, #tpu.memory_space<hbm>> -> memref<25x80xi32, #tpu.memory_space<hbm>>
        tpu.enqueue_dma source(%dma_start3A_34 : memref<25x80xi32, #tpu.memory_space<hbm>>) target(%arg7 : memref<25x80xi32, #tpu.memory_space<vmem>>) target_semaphore(%run_scoped3A_26 : memref<!tpu.dma_semaphore, #tpu.memory_space<semaphore_mem>>)
        %dma_wait3A_35 = arith.constant 0 : i32
        %dma_wait3A_36 = arith.constant 0 : i32
        %dma_wait3A_37 = tpu.memref_slice %arg3[%add3A, %scan3A_9, %dma_wait3A_35, %dma_wait3A_36] : memref<32x5x25x80xi32, #tpu.memory_space<hbm>> -> memref<1x1x25x80xi32, #tpu.memory_space<hbm>>
        %dma_wait3A_38 = tpu.memref_squeeze %dma_wait3A_37 : memref<1x1x25x80xi32, #tpu.memory_space<hbm>> -> memref<25x80xi32, #tpu.memory_space<hbm>>
        %dma_wait3A_39 = arith.constant 0 : i32
        %dma_wait3A_40 = arith.constant 0 : i32
        %dma_wait3A_41 = tpu.memref_slice %arg3[%add3A, %scan3A_9, %dma_wait3A_39, %dma_wait3A_40] : memref<32x5x25x80xi32, #tpu.memory_space<hbm>> -> memref<1x1x25x80xi32, #tpu.memory_space<hbm>>
        %dma_wait3A_42 = tpu.memref_squeeze %dma_wait3A_41 : memref<1x1x25x80xi32, #tpu.memory_space<hbm>> -> memref<25x80xi32, #tpu.memory_space<hbm>>
        tpu.wait_dma2 semaphore(%run_scoped3A_26 : memref<!tpu.dma_semaphore, #tpu.memory_space<semaphore_mem>>) src(%dma_wait3A_42 : memref<25x80xi32, #tpu.memory_space<hbm>>) dst(%arg7 : memref<25x80xi32, #tpu.memory_space<vmem>>)
        tpu.yield
      }) : () -> ()
      "tpu.region"() ({
        %run_scoped3A_26 = tpu.sem_alloc : memref<!tpu.dma_semaphore, #tpu.memory_space<semaphore_mem>>
        %dma_start3A_27 = arith.constant 0 : i32
        %dma_start3A_28 = arith.constant 0 : i32
        %dma_start3A_29 = tpu.memref_slice %arg4[%add3A, %scan3A_9, %dma_start3A_27, %dma_start3A_28] : memref<32x5x25x80xi32, #tpu.memory_space<hbm>> -> memref<1x1x25x80xi32, #tpu.memory_space<hbm>>
        %dma_start3A_30 = tpu.memref_squeeze %dma_start3A_29 : memref<1x1x25x80xi32, #tpu.memory_space<hbm>> -> memref<25x80xi32, #tpu.memory_space<hbm>>
        %dma_start3A_31 = arith.constant 0 : i32
        %dma_start3A_32 = arith.constant 0 : i32
        %dma_start3A_33 = tpu.memref_slice %arg4[%add3A, %scan3A_9, %dma_start3A_31, %dma_start3A_32] : memref<32x5x25x80xi32, #tpu.memory_space<hbm>> -> memref<1x1x25x80xi32, #tpu.memory_space<hbm>>
        %dma_start3A_34 = tpu.memref_squeeze %dma_start3A_33 : memref<1x1x25x80xi32, #tpu.memory_space<hbm>> -> memref<25x80xi32, #tpu.memory_space<hbm>>
        tpu.enqueue_dma source(%dma_start3A_34 : memref<25x80xi32, #tpu.memory_space<hbm>>) target(%arg8 : memref<25x80xi32, #tpu.memory_space<vmem>>) target_semaphore(%run_scoped3A_26 : memref<!tpu.dma_semaphore, #tpu.memory_space<semaphore_mem>>)
        %dma_wait3A_35 = arith.constant 0 : i32
        %dma_wait3A_36 = arith.constant 0 : i32
        %dma_wait3A_37 = tpu.memref_slice %arg4[%add3A, %scan3A_9, %dma_wait3A_35, %dma_wait3A_36] : memref<32x5x25x80xi32, #tpu.memory_space<hbm>> -> memref<1x1x25x80xi32, #tpu.memory_space<hbm>>
        %dma_wait3A_38 = tpu.memref_squeeze %dma_wait3A_37 : memref<1x1x25x80xi32, #tpu.memory_space<hbm>> -> memref<25x80xi32, #tpu.memory_space<hbm>>
        %dma_wait3A_39 = arith.constant 0 : i32
        %dma_wait3A_40 = arith.constant 0 : i32
        %dma_wait3A_41 = tpu.memref_slice %arg4[%add3A, %scan3A_9, %dma_wait3A_39, %dma_wait3A_40] : memref<32x5x25x80xi32, #tpu.memory_space<hbm>> -> memref<1x1x25x80xi32, #tpu.memory_space<hbm>>
        %dma_wait3A_42 = tpu.memref_squeeze %dma_wait3A_41 : memref<1x1x25x80xi32, #tpu.memory_space<hbm>> -> memref<25x80xi32, #tpu.memory_space<hbm>>
        tpu.wait_dma2 semaphore(%run_scoped3A_26 : memref<!tpu.dma_semaphore, #tpu.memory_space<semaphore_mem>>) src(%dma_wait3A_42 : memref<25x80xi32, #tpu.memory_space<hbm>>) dst(%arg8 : memref<25x80xi32, #tpu.memory_space<vmem>>)
        tpu.yield
      }) : () -> ()
      %dma_start3A = arith.constant 0 : i32
      %dma_start3A_10 = arith.constant 0 : i32
      %dma_start3A_11 = tpu.memref_slice %arg7[%dma_start3A, %dma_start3A_10] : memref<25x80xi32, #tpu.memory_space<vmem>> -> memref<1x80xi32, #tpu.memory_space<vmem>>
      %dma_start3A_12 = tpu.memref_squeeze %dma_start3A_11 : memref<1x80xi32, #tpu.memory_space<vmem>> -> memref<80xi32, #tpu.memory_space<vmem>>
      %dma_start3A_13 = arith.constant 0 : i32
      %dma_start3A_14 = arith.constant 0 : i32
      %dma_start3A_15 = tpu.memref_slice %arg2[%dma_start3A_13, %dma_start3A_14] : memref<10000x128xf32, #tpu.memory_space<hbm>> -> memref<10000x128xf32, #tpu.memory_space<hbm>>
      tpu.enqueue_indirect_dma source(%dma_start3A_15 : memref<10000x128xf32, #tpu.memory_space<hbm>>) target(%arg9 : memref<80x128xf32, #tpu.memory_space<vmem>>) offsets(%dma_start3A_12 : memref<80xi32, #tpu.memory_space<vmem>>) semaphore(%arg11 : memref<!tpu.dma_semaphore, #tpu.memory_space<semaphore_mem>>)
      %scan3A_16 = arith.constant 0 : i32
      %scan3A_17 = arith.constant 12 : i32
      %scan3A_18 = arith.addi %scan3A_16, %scan3A_17 : i32
      %scan3A_19 = arith.constant 1 : i32
      scf.for %scan3A_26 = %scan3A_16 to %scan3A_18 step %scan3A_19  : i32 {
        %mul3A_27 = arith.constant 2 : i32
        %mul3A_28 = arith.muli %mul3A_27, %scan3A_26 : i32
        %add3A_29 = arith.constant 1 : i32
        %add3A_30 = arith.addi %mul3A_28, %add3A_29 : i32
        %dma_start3A_31 = arith.constant 0 : i32
        %dma_start3A_32 = tpu.memref_slice %arg7[%add3A_30, %dma_start3A_31] : memref<25x80xi32, #tpu.memory_space<vmem>> -> memref<1x80xi32, #tpu.memory_space<vmem>>
        %dma_start3A_33 = tpu.memref_squeeze %dma_start3A_32 : memref<1x80xi32, #tpu.memory_space<vmem>> -> memref<80xi32, #tpu.memory_space<vmem>>
        %dma_start3A_34 = arith.constant 0 : i32
        %dma_start3A_35 = arith.constant 0 : i32
        %dma_start3A_36 = tpu.memref_slice %arg2[%dma_start3A_34, %dma_start3A_35] : memref<10000x128xf32, #tpu.memory_space<hbm>> -> memref<10000x128xf32, #tpu.memory_space<hbm>>
        tpu.enqueue_indirect_dma source(%dma_start3A_36 : memref<10000x128xf32, #tpu.memory_space<hbm>>) target(%arg10 : memref<80x128xf32, #tpu.memory_space<vmem>>) offsets(%dma_start3A_33 : memref<80xi32, #tpu.memory_space<vmem>>) semaphore(%arg11 : memref<!tpu.dma_semaphore, #tpu.memory_space<semaphore_mem>>)
        %dma_wait3A_37 = arith.constant 0 : i32
        %dma_wait3A_38 = arith.constant 0 : i32
        %dma_wait3A_39 = tpu.memref_slice %arg2[%dma_wait3A_37, %dma_wait3A_38] : memref<10000x128xf32, #tpu.memory_space<hbm>> -> memref<80x128xf32, #tpu.memory_space<hbm>>
        %dma_wait3A_40 = arith.constant 0 : i32
        %dma_wait3A_41 = arith.constant 0 : i32
        %dma_wait3A_42 = tpu.memref_slice %arg2[%dma_wait3A_40, %dma_wait3A_41] : memref<10000x128xf32, #tpu.memory_space<hbm>> -> memref<80x128xf32, #tpu.memory_space<hbm>>
        tpu.wait_dma2 semaphore(%arg11 : memref<!tpu.dma_semaphore, #tpu.memory_space<semaphore_mem>>) src(%dma_wait3A_42 : memref<80x128xf32, #tpu.memory_space<hbm>>) dst(%arg9 : memref<80x128xf32, #tpu.memory_space<vmem>>)
        "tpu.region"() ({
          %run_scoped3A_59 = tpu.sem_alloc : memref<!tpu.dma_semaphore, #tpu.memory_space<semaphore_mem>>
          %dma_start3A_60 = arith.constant 0 : i32
          %dma_start3A_61 = tpu.memref_slice %arg8[%mul3A_28, %dma_start3A_60] : memref<25x80xi32, #tpu.memory_space<vmem>> -> memref<1x80xi32, #tpu.memory_space<vmem>>
          %dma_start3A_62 = tpu.memref_squeeze %dma_start3A_61 : memref<1x80xi32, #tpu.memory_space<vmem>> -> memref<80xi32, #tpu.memory_space<vmem>>
          %dma_start3A_63 = arith.constant 0 : i32
          %dma_start3A_64 = arith.constant 0 : i32
          %dma_start3A_65 = tpu.memref_slice %arg12[%dma_start3A_63, %dma_start3A_64] : memref<10240x128xf32, #tpu.memory_space<vmem_shared>> -> memref<10240x128xf32, #tpu.memory_space<vmem_shared>>
          tpu.enqueue_indirect_dma source(%arg9 : memref<80x128xf32, #tpu.memory_space<vmem>>) target(%dma_start3A_65 : memref<10240x128xf32, #tpu.memory_space<vmem_shared>>) offsets(%dma_start3A_62 : memref<80xi32, #tpu.memory_space<vmem>>) semaphore(%run_scoped3A_59 : memref<!tpu.dma_semaphore, #tpu.memory_space<semaphore_mem>>) {add = true}
          %dma_wait3A_66 = arith.constant 0 : i32
          %dma_wait3A_67 = tpu.memref_slice %arg8[%mul3A_28, %dma_wait3A_66] : memref<25x80xi32, #tpu.memory_space<vmem>> -> memref<1x80xi32, #tpu.memory_space<vmem>>
          %dma_wait3A_68 = tpu.memref_squeeze %dma_wait3A_67 : memref<1x80xi32, #tpu.memory_space<vmem>> -> memref<80xi32, #tpu.memory_space<vmem>>
          %dma_wait3A_69 = arith.constant 0 : i32
          %dma_wait3A_70 = arith.constant 0 : i32
          %dma_wait3A_71 = tpu.memref_slice %arg12[%dma_wait3A_69, %dma_wait3A_70] : memref<10240x128xf32, #tpu.memory_space<vmem_shared>> -> memref<10240x128xf32, #tpu.memory_space<vmem_shared>>
          tpu.wait_indirect_dma semaphore(%run_scoped3A_59 : memref<!tpu.dma_semaphore, #tpu.memory_space<semaphore_mem>>) src(%arg9 : memref<80x128xf32, #tpu.memory_space<vmem>>) dst(%dma_wait3A_71 : memref<10240x128xf32, #tpu.memory_space<vmem_shared>>)
          tpu.yield
        }) : () -> ()
        %add3A_43 = arith.constant 2 : i32
        %add3A_44 = arith.addi %mul3A_28, %add3A_43 : i32
        %dma_start3A_45 = arith.constant 0 : i32
        %dma_start3A_46 = tpu.memref_slice %arg7[%add3A_44, %dma_start3A_45] : memref<25x80xi32, #tpu.memory_space<vmem>> -> memref<1x80xi32, #tpu.memory_space<vmem>>
        %dma_start3A_47 = tpu.memref_squeeze %dma_start3A_46 : memref<1x80xi32, #tpu.memory_space<vmem>> -> memref<80xi32, #tpu.memory_space<vmem>>
        %dma_start3A_48 = arith.constant 0 : i32
        %dma_start3A_49 = arith.constant 0 : i32
        %dma_start3A_50 = tpu.memref_slice %arg2[%dma_start3A_48, %dma_start3A_49] : memref<10000x128xf32, #tpu.memory_space<hbm>> -> memref<10000x128xf32, #tpu.memory_space<hbm>>
        tpu.enqueue_indirect_dma source(%dma_start3A_50 : memref<10000x128xf32, #tpu.memory_space<hbm>>) target(%arg9 : memref<80x128xf32, #tpu.memory_space<vmem>>) offsets(%dma_start3A_47 : memref<80xi32, #tpu.memory_space<vmem>>) semaphore(%arg11 : memref<!tpu.dma_semaphore, #tpu.memory_space<semaphore_mem>>)
        %dma_wait3A_51 = arith.constant 0 : i32
        %dma_wait3A_52 = arith.constant 0 : i32
        %dma_wait3A_53 = tpu.memref_slice %arg2[%dma_wait3A_51, %dma_wait3A_52] : memref<10000x128xf32, #tpu.memory_space<hbm>> -> memref<80x128xf32, #tpu.memory_space<hbm>>
        %dma_wait3A_54 = arith.constant 0 : i32
        %dma_wait3A_55 = arith.constant 0 : i32
        %dma_wait3A_56 = tpu.memref_slice %arg2[%dma_wait3A_54, %dma_wait3A_55] : memref<10000x128xf32, #tpu.memory_space<hbm>> -> memref<80x128xf32, #tpu.memory_space<hbm>>
        tpu.wait_dma2 semaphore(%arg11 : memref<!tpu.dma_semaphore, #tpu.memory_space<semaphore_mem>>) src(%dma_wait3A_56 : memref<80x128xf32, #tpu.memory_space<hbm>>) dst(%arg10 : memref<80x128xf32, #tpu.memory_space<vmem>>)
        %add3A_57 = arith.constant 1 : i32
        %add3A_58 = arith.addi %mul3A_28, %add3A_57 : i32
        "tpu.region"() ({
          %run_scoped3A_59 = tpu.sem_alloc : memref<!tpu.dma_semaphore, #tpu.memory_space<semaphore_mem>>
          %dma_start3A_60 = arith.constant 0 : i32
          %dma_start3A_61 = tpu.memref_slice %arg8[%add3A_58, %dma_start3A_60] : memref<25x80xi32, #tpu.memory_space<vmem>> -> memref<1x80xi32, #tpu.memory_space<vmem>>
          %dma_start3A_62 = tpu.memref_squeeze %dma_start3A_61 : memref<1x80xi32, #tpu.memory_space<vmem>> -> memref<80xi32, #tpu.memory_space<vmem>>
          %dma_start3A_63 = arith.constant 0 : i32
          %dma_start3A_64 = arith.constant 0 : i32
          %dma_start3A_65 = tpu.memref_slice %arg12[%dma_start3A_63, %dma_start3A_64] : memref<10240x128xf32, #tpu.memory_space<vmem_shared>> -> memref<10240x128xf32, #tpu.memory_space<vmem_shared>>
          tpu.enqueue_indirect_dma source(%arg10 : memref<80x128xf32, #tpu.memory_space<vmem>>) target(%dma_start3A_65 : memref<10240x128xf32, #tpu.memory_space<vmem_shared>>) offsets(%dma_start3A_62 : memref<80xi32, #tpu.memory_space<vmem>>) semaphore(%run_scoped3A_59 : memref<!tpu.dma_semaphore, #tpu.memory_space<semaphore_mem>>) {add = true}
          %dma_wait3A_66 = arith.constant 0 : i32
          %dma_wait3A_67 = tpu.memref_slice %arg8[%add3A_58, %dma_wait3A_66] : memref<25x80xi32, #tpu.memory_space<vmem>> -> memref<1x80xi32, #tpu.memory_space<vmem>>
          %dma_wait3A_68 = tpu.memref_squeeze %dma_wait3A_67 : memref<1x80xi32, #tpu.memory_space<vmem>> -> memref<80xi32, #tpu.memory_space<vmem>>
          %dma_wait3A_69 = arith.constant 0 : i32
          %dma_wait3A_70 = arith.constant 0 : i32
          %dma_wait3A_71 = tpu.memref_slice %arg12[%dma_wait3A_69, %dma_wait3A_70] : memref<10240x128xf32, #tpu.memory_space<vmem_shared>> -> memref<10240x128xf32, #tpu.memory_space<vmem_shared>>
          tpu.wait_indirect_dma semaphore(%run_scoped3A_59 : memref<!tpu.dma_semaphore, #tpu.memory_space<semaphore_mem>>) src(%arg10 : memref<80x128xf32, #tpu.memory_space<vmem>>) dst(%dma_wait3A_71 : memref<10240x128xf32, #tpu.memory_space<vmem_shared>>)
          tpu.yield
        }) : () -> ()
      }
      %scan3A_20 = arith.constant 12 : i32
      %dma_wait3A = arith.constant 0 : i32
      %dma_wait3A_21 = arith.constant 0 : i32
      %dma_wait3A_22 = tpu.memref_slice %arg2[%dma_wait3A, %dma_wait3A_21] : memref<10000x128xf32, #tpu.memory_space<hbm>> -> memref<80x128xf32, #tpu.memory_space<hbm>>
      %dma_wait3A_23 = arith.constant 0 : i32
      %dma_wait3A_24 = arith.constant 0 : i32
      %dma_wait3A_25 = tpu.memref_slice %arg2[%dma_wait3A_23, %dma_wait3A_24] : memref<10000x128xf32, #tpu.memory_space<hbm>> -> memref<80x128xf32, #tpu.memory_space<hbm>>
      tpu.wait_dma2 semaphore(%arg11 : memref<!tpu.dma_semaphore, #tpu.memory_space<semaphore_mem>>) src(%dma_wait3A_25 : memref<80x128xf32, #tpu.memory_space<hbm>>) dst(%arg9 : memref<80x128xf32, #tpu.memory_space<vmem>>)
      %run_scoped3A = arith.constant 24 : i32
      "tpu.region"() ({
        %run_scoped3A_26 = tpu.sem_alloc : memref<!tpu.dma_semaphore, #tpu.memory_space<semaphore_mem>>
        %dma_start3A_27 = arith.constant 0 : i32
        %dma_start3A_28 = tpu.memref_slice %arg8[%run_scoped3A, %dma_start3A_27] : memref<25x80xi32, #tpu.memory_space<vmem>> -> memref<1x80xi32, #tpu.memory_space<vmem>>
        %dma_start3A_29 = tpu.memref_squeeze %dma_start3A_28 : memref<1x80xi32, #tpu.memory_space<vmem>> -> memref<80xi32, #tpu.memory_space<vmem>>
        %dma_start3A_30 = arith.constant 0 : i32
        %dma_start3A_31 = arith.constant 0 : i32
        %dma_start3A_32 = tpu.memref_slice %arg12[%dma_start3A_30, %dma_start3A_31] : memref<10240x128xf32, #tpu.memory_space<vmem_shared>> -> memref<10240x128xf32, #tpu.memory_space<vmem_shared>>
        tpu.enqueue_indirect_dma source(%arg9 : memref<80x128xf32, #tpu.memory_space<vmem>>) target(%dma_start3A_32 : memref<10240x128xf32, #tpu.memory_space<vmem_shared>>) offsets(%dma_start3A_29 : memref<80xi32, #tpu.memory_space<vmem>>) semaphore(%run_scoped3A_26 : memref<!tpu.dma_semaphore, #tpu.memory_space<semaphore_mem>>) {add = true}
        %dma_wait3A_33 = arith.constant 0 : i32
        %dma_wait3A_34 = tpu.memref_slice %arg8[%run_scoped3A, %dma_wait3A_33] : memref<25x80xi32, #tpu.memory_space<vmem>> -> memref<1x80xi32, #tpu.memory_space<vmem>>
        %dma_wait3A_35 = tpu.memref_squeeze %dma_wait3A_34 : memref<1x80xi32, #tpu.memory_space<vmem>> -> memref<80xi32, #tpu.memory_space<vmem>>
        %dma_wait3A_36 = arith.constant 0 : i32
        %dma_wait3A_37 = arith.constant 0 : i32
        %dma_wait3A_38 = tpu.memref_slice %arg12[%dma_wait3A_36, %dma_wait3A_37] : memref<10240x128xf32, #tpu.memory_space<vmem_shared>> -> memref<10240x128xf32, #tpu.memory_space<vmem_shared>>
        tpu.wait_indirect_dma semaphore(%run_scoped3A_26 : memref<!tpu.dma_semaphore, #tpu.memory_space<semaphore_mem>>) src(%arg9 : memref<80x128xf32, #tpu.memory_space<vmem>>) dst(%dma_wait3A_38 : memref<10240x128xf32, #tpu.memory_space<vmem_shared>>)
        tpu.yield
      }) : () -> ()
    }
    %scan3A_7 = arith.constant 5 : i32
    %barrier3A_8 = arith.constant 0 : index
    tpu.barrier barrier_id(%barrier3A_8)
    "tpu.region"() ({
      %run_scoped3A = tpu.sem_alloc : memref<!tpu.dma_semaphore, #tpu.memory_space<semaphore_mem>>
      %dma_start3A = arith.constant 0 : i32
      %dma_start3A_9 = tpu.memref_slice %arg6[%arg0, %mul3A_2, %dma_start3A] : memref<2x10240x128xf32, #tpu.memory_space<hbm>> -> memref<1x640x128xf32, #tpu.memory_space<hbm>>
      %dma_start3A_10 = tpu.memref_squeeze %dma_start3A_9 : memref<1x640x128xf32, #tpu.memory_space<hbm>> -> memref<640x128xf32, #tpu.memory_space<hbm>>
      %dma_start3A_11 = arith.constant 0 : i32
      %dma_start3A_12 = tpu.memref_slice %arg12[%mul3A_2, %dma_start3A_11] : memref<10240x128xf32, #tpu.memory_space<vmem_shared>> -> memref<640x128xf32, #tpu.memory_space<vmem_shared>>
      tpu.enqueue_dma source(%dma_start3A_12 : memref<640x128xf32, #tpu.memory_space<vmem_shared>>) target(%dma_start3A_10 : memref<640x128xf32, #tpu.memory_space<hbm>>) target_semaphore(%run_scoped3A : memref<!tpu.dma_semaphore, #tpu.memory_space<semaphore_mem>>)
      %dma_wait3A = arith.constant 0 : i32
      %dma_wait3A_13 = tpu.memref_slice %arg6[%arg0, %mul3A_2, %dma_wait3A] : memref<2x10240x128xf32, #tpu.memory_space<hbm>> -> memref<1x640x128xf32, #tpu.memory_space<hbm>>
      %dma_wait3A_14 = tpu.memref_squeeze %dma_wait3A_13 : memref<1x640x128xf32, #tpu.memory_space<hbm>> -> memref<640x128xf32, #tpu.memory_space<hbm>>
      %dma_wait3A_15 = arith.constant 0 : i32
      %dma_wait3A_16 = tpu.memref_slice %arg12[%mul3A_2, %dma_wait3A_15] : memref<10240x128xf32, #tpu.memory_space<vmem_shared>> -> memref<640x128xf32, #tpu.memory_space<vmem_shared>>
      tpu.wait_dma2 semaphore(%run_scoped3A : memref<!tpu.dma_semaphore, #tpu.memory_space<semaphore_mem>>) src(%dma_wait3A_16 : memref<640x128xf32, #tpu.memory_space<vmem_shared>>) dst(%dma_wait3A_14 : memref<640x128xf32, #tpu.memory_space<hbm>>)
      tpu.yield
    }) : () -> ()
    return
  }
}

module attributes {stable_mosaic.version = 14 : i64} {
  func.func @body(%arg0: i32, %arg1: memref<1000x128xf32, #tpu.memory_space<vmem>>, %arg2: memref<2x1000x128xf32, #tpu.memory_space<vmem>>, %arg3: memref<2x1000x128xf32, #tpu.memory_space<vmem>>, %arg4: memref<128x128xf32, #tpu.memory_space<vmem>>, %arg5: memref<128x128xf32, #tpu.memory_space<vmem>>, %arg6: memref<1x128xf32, #tpu.memory_space<vmem>>, %arg7: memref<1000x128xf32, #tpu.memory_space<vmem>>) attributes {dimension_semantics = [#tpu.dimension_semantics<arbitrary>], iteration_bounds = array<i64: 10>, scalar_prefetch = 0 : i64, scratch_operands = 0 : i64, tpu.core_type = #tpu.core_type<tc>, window_params = [{transform_indices = @transform_0, window_bounds = array<i64: 1000, 128>}, {transform_indices = @transform_1, window_bounds = array<i64: 2, 1000, 128>}, {transform_indices = @transform_2, window_bounds = array<i64: 2, 1000, 128>}, {pipeline_mode = #tpu.pipeline_mode<synchronous>, transform_indices = @transform_3, window_bounds = array<i64: 128, 128>}, {pipeline_mode = #tpu.pipeline_mode<synchronous>, transform_indices = @transform_4, window_bounds = array<i64: 128, 128>}, {pipeline_mode = #tpu.pipeline_mode<synchronous>, transform_indices = @transform_5, window_bounds = array<i64: 1, 128>}, {transform_indices = @transform_6, window_bounds = array<i64: 1000, 128>}]} {
    %get3A = arith.constant 0 : index
    %get3A_0 = arith.constant 0 : index
    %get3A_1 = arith.constant 0 : index
    %get3A_2 = vector.load %arg2[%get3A, %get3A_0, %get3A_1] : memref<2x1000x128xf32, #tpu.memory_space<vmem>>, vector<1x1000x128xf32>
    %get3A_3 = vector.shape_cast %get3A_2 : vector<1x1000x128xf32> to vector<1000x128xf32>
    %get3A_4 = arith.constant 1 : index
    %get3A_5 = arith.constant 0 : index
    %get3A_6 = arith.constant 0 : index
    %get3A_7 = vector.load %arg2[%get3A_4, %get3A_5, %get3A_6] : memref<2x1000x128xf32, #tpu.memory_space<vmem>>, vector<1x1000x128xf32>
    %get3A_8 = vector.shape_cast %get3A_7 : vector<1x1000x128xf32> to vector<1000x128xf32>
    %add3A = arith.addf %get3A_3, %get3A_8 : vector<1000x128xf32>
    %get3A_9 = arith.constant 0 : index
    %get3A_10 = arith.constant 0 : index
    %get3A_11 = arith.constant 0 : index
    %get3A_12 = vector.load %arg3[%get3A_9, %get3A_10, %get3A_11] : memref<2x1000x128xf32, #tpu.memory_space<vmem>>, vector<1x1000x1xf32>
    %get3A_13 = vector.shape_cast %get3A_12 : vector<1x1000x1xf32> to vector<1000x1xf32>
    %get3A_14 = arith.constant 1 : index
    %get3A_15 = arith.constant 0 : index
    %get3A_16 = arith.constant 0 : index
    %get3A_17 = vector.load %arg3[%get3A_14, %get3A_15, %get3A_16] : memref<2x1000x128xf32, #tpu.memory_space<vmem>>, vector<1x1000x1xf32>
    %get3A_18 = vector.shape_cast %get3A_17 : vector<1x1000x1xf32> to vector<1000x1xf32>
    %add3A_19 = arith.addf %get3A_13, %get3A_18 : vector<1000x1xf32>
    %max3A = arith.constant 1.000000e+00 : f32
    %max3A_20 = vector.broadcast %max3A : f32 to vector<1000x1xf32>
    %max3A_21 = arith.maximumf %add3A_19, %max3A_20 : vector<1000x1xf32>
    %div3A = arith.constant 1.000000e+00 : f32
    %div3A_22 = vector.broadcast %div3A : f32 to vector<1000x1xf32>
    %div3A_23 = arith.divf %div3A_22, %max3A_21 : vector<1000x1xf32>
    %mul3A = vector.broadcast %div3A_23 : vector<1000x1xf32> to vector<1000x128xf32>
    %mul3A_24 = arith.mulf %add3A, %mul3A : vector<1000x128xf32>
    %get3A_25 = arith.constant 0 : index
    %get3A_26 = arith.constant 0 : index
    %get3A_27 = vector.load %arg1[%get3A_25, %get3A_26] : memref<1000x128xf32, #tpu.memory_space<vmem>>, vector<1000x128xf32>
    %get3A_28 = arith.constant 0 : index
    %get3A_29 = arith.constant 0 : index
    %get3A_30 = vector.load %arg4[%get3A_28, %get3A_29] : memref<128x128xf32, #tpu.memory_space<vmem>>, vector<128x128xf32>
    %dot_general3A = arith.constant dense<0.000000e+00> : vector<1000x128xf32>
    %dot_general3A_31 = tpu.matmul %get3A_27, %get3A_30, %dot_general3A {dimension_numbers = #tpu.dot_dimension_numbers<[1], [0], [0], [1], [0, 0, 1, 1], [], []>, transpose_lhs_hint = false} : vector<1000x128xf32>, vector<128x128xf32>, vector<1000x128xf32> -> vector<1000x128xf32>
    %get3A_32 = arith.constant 0 : index
    %get3A_33 = arith.constant 0 : index
    %get3A_34 = vector.load %arg5[%get3A_32, %get3A_33] : memref<128x128xf32, #tpu.memory_space<vmem>>, vector<128x128xf32>
    %dot_general3A_35 = arith.constant dense<0.000000e+00> : vector<1000x128xf32>
    %dot_general3A_36 = tpu.matmul %mul3A_24, %get3A_34, %dot_general3A_35 {dimension_numbers = #tpu.dot_dimension_numbers<[1], [0], [0], [1], [0, 0, 1, 1], [], []>, transpose_lhs_hint = false} : vector<1000x128xf32>, vector<128x128xf32>, vector<1000x128xf32> -> vector<1000x128xf32>
    %add3A_37 = arith.addf %dot_general3A_31, %dot_general3A_36 : vector<1000x128xf32>
    %get3A_38 = arith.constant 0 : index
    %get3A_39 = arith.constant 0 : index
    %get3A_40 = vector.load %arg6[%get3A_38, %get3A_39] : memref<1x128xf32, #tpu.memory_space<vmem>>, vector<1x128xf32>
    %add3A_41 = vector.broadcast %get3A_40 : vector<1x128xf32> to vector<1000x128xf32>
    %add3A_42 = arith.addf %add3A_37, %add3A_41 : vector<1000x128xf32>
    %max3A_43 = arith.constant 0.000000e+00 : f32
    %max3A_44 = vector.broadcast %max3A_43 : f32 to vector<1000x128xf32>
    %max3A_45 = arith.maximumf %add3A_42, %max3A_44 : vector<1000x128xf32>
    %swap3A = arith.constant 0 : index
    %swap3A_46 = arith.constant 0 : index
    %swap3A_47 = vector.load %arg7[%swap3A, %swap3A_46] : memref<1000x128xf32, #tpu.memory_space<vmem>>, vector<1000x128xf32>
    tpu.vector_store %arg7[%swap3A, %swap3A_46], %max3A_45 {strides = array<i32>} : memref<1000x128xf32, #tpu.memory_space<vmem>>, vector<1000x128xf32>,
    return
  }
  func.func @transform_0(%arg0: i32) -> (i32, i32) {
    %c0_i32 = arith.constant 0 : i32
    %c0_i32_0 = arith.constant 0 : i32
    return %arg0, %c0_i32 : i32, i32
  }
  func.func @transform_1(%arg0: i32) -> (i32, i32, i32) {
    %c0_i32 = arith.constant 0 : i32
    %c0_i32_0 = arith.constant 0 : i32
    %c0_i32_1 = arith.constant 0 : i32
    return %c0_i32, %arg0, %c0_i32_0 : i32, i32, i32
  }
  func.func @transform_2(%arg0: i32) -> (i32, i32, i32) {
    %c0_i32 = arith.constant 0 : i32
    %c0_i32_0 = arith.constant 0 : i32
    %c0_i32_1 = arith.constant 0 : i32
    return %c0_i32, %arg0, %c0_i32_0 : i32, i32, i32
  }
  func.func @transform_3(%arg0: i32) -> (i32, i32) {
    %c0_i32 = arith.constant 0 : i32
    %c0_i32_0 = arith.constant 0 : i32
    %c0_i32_1 = arith.constant 0 : i32
    return %c0_i32, %c0_i32_0 : i32, i32
  }
  func.func @transform_4(%arg0: i32) -> (i32, i32) {
    %c0_i32 = arith.constant 0 : i32
    %c0_i32_0 = arith.constant 0 : i32
    %c0_i32_1 = arith.constant 0 : i32
    return %c0_i32, %c0_i32_0 : i32, i32
  }
  func.func @transform_5(%arg0: i32) -> (i32, i32) {
    %c0_i32 = arith.constant 0 : i32
    %c0_i32_0 = arith.constant 0 : i32
    %c0_i32_1 = arith.constant 0 : i32
    return %c0_i32, %c0_i32_0 : i32, i32
  }
  func.func @transform_6(%arg0: i32) -> (i32, i32) {
    %c0_i32 = arith.constant 0 : i32
    %c0_i32_0 = arith.constant 0 : i32
    return %arg0, %c0_i32 : i32, i32
  }
}

module attributes {stable_mosaic.version = 14 : i64} {
  func.func @body(%arg0: i32, %arg1: memref<1000x128xf32, #tpu.memory_space<vmem>>, %arg2: memref<2x1000x128xf32, #tpu.memory_space<vmem>>, %arg3: memref<2x1000x128xf32, #tpu.memory_space<vmem>>, %arg4: memref<128x128xf32, #tpu.memory_space<vmem>>, %arg5: memref<128x128xf32, #tpu.memory_space<vmem>>, %arg6: memref<1x128xf32, #tpu.memory_space<vmem>>, %arg7: memref<1000x128xf32, #tpu.memory_space<vmem>>) attributes {dimension_semantics = [#tpu.dimension_semantics<arbitrary>], iteration_bounds = array<i64: 10>, scalar_prefetch = 0 : i64, scratch_operands = 0 : i64, tpu.core_type = #tpu.core_type<tc>, window_params = [{transform_indices = @transform_0, window_bounds = array<i64: 1000, 128>}, {transform_indices = @transform_1, window_bounds = array<i64: 2, 1000, 128>}, {transform_indices = @transform_2, window_bounds = array<i64: 2, 1000, 128>}, {pipeline_mode = #tpu.pipeline_mode<synchronous>, transform_indices = @transform_3, window_bounds = array<i64: 128, 128>}, {pipeline_mode = #tpu.pipeline_mode<synchronous>, transform_indices = @transform_4, window_bounds = array<i64: 128, 128>}, {pipeline_mode = #tpu.pipeline_mode<synchronous>, transform_indices = @transform_5, window_bounds = array<i64: 1, 128>}, {transform_indices = @transform_6, window_bounds = array<i64: 1000, 128>}]} {
    %get3A = arith.constant 0 : index
    %get3A_0 = arith.constant 0 : index
    %get3A_1 = arith.constant 0 : index
    %get3A_2 = vector.load %arg2[%get3A, %get3A_0, %get3A_1] : memref<2x1000x128xf32, #tpu.memory_space<vmem>>, vector<1x1000x128xf32>
    %get3A_3 = vector.shape_cast %get3A_2 : vector<1x1000x128xf32> to vector<1000x128xf32>
    %get3A_4 = arith.constant 1 : index
    %get3A_5 = arith.constant 0 : index
    %get3A_6 = arith.constant 0 : index
    %get3A_7 = vector.load %arg2[%get3A_4, %get3A_5, %get3A_6] : memref<2x1000x128xf32, #tpu.memory_space<vmem>>, vector<1x1000x128xf32>
    %get3A_8 = vector.shape_cast %get3A_7 : vector<1x1000x128xf32> to vector<1000x128xf32>
    %add3A = arith.addf %get3A_3, %get3A_8 : vector<1000x128xf32>
    %get3A_9 = arith.constant 0 : index
    %get3A_10 = arith.constant 0 : index
    %get3A_11 = arith.constant 0 : index
    %get3A_12 = vector.load %arg3[%get3A_9, %get3A_10, %get3A_11] : memref<2x1000x128xf32, #tpu.memory_space<vmem>>, vector<1x1000x1xf32>
    %get3A_13 = vector.shape_cast %get3A_12 : vector<1x1000x1xf32> to vector<1000x1xf32>
    %get3A_14 = arith.constant 1 : index
    %get3A_15 = arith.constant 0 : index
    %get3A_16 = arith.constant 0 : index
    %get3A_17 = vector.load %arg3[%get3A_14, %get3A_15, %get3A_16] : memref<2x1000x128xf32, #tpu.memory_space<vmem>>, vector<1x1000x1xf32>
    %get3A_18 = vector.shape_cast %get3A_17 : vector<1x1000x1xf32> to vector<1000x1xf32>
    %add3A_19 = arith.addf %get3A_13, %get3A_18 : vector<1000x1xf32>
    %max3A = arith.constant 1.000000e+00 : f32
    %max3A_20 = vector.broadcast %max3A : f32 to vector<1000x1xf32>
    %max3A_21 = arith.maximumf %add3A_19, %max3A_20 : vector<1000x1xf32>
    %div3A = arith.constant 1.000000e+00 : f32
    %div3A_22 = vector.broadcast %div3A : f32 to vector<1000x1xf32>
    %div3A_23 = arith.divf %div3A_22, %max3A_21 : vector<1000x1xf32>
    %mul3A = vector.broadcast %div3A_23 : vector<1000x1xf32> to vector<1000x128xf32>
    %mul3A_24 = arith.mulf %add3A, %mul3A : vector<1000x128xf32>
    %get3A_25 = arith.constant 0 : index
    %get3A_26 = arith.constant 0 : index
    %get3A_27 = vector.load %arg1[%get3A_25, %get3A_26] : memref<1000x128xf32, #tpu.memory_space<vmem>>, vector<1000x128xf32>
    %get3A_28 = arith.constant 0 : index
    %get3A_29 = arith.constant 0 : index
    %get3A_30 = vector.load %arg4[%get3A_28, %get3A_29] : memref<128x128xf32, #tpu.memory_space<vmem>>, vector<128x128xf32>
    %dot_general3A = arith.constant dense<0.000000e+00> : vector<1000x128xf32>
    %dot_general3A_31 = tpu.matmul %get3A_27, %get3A_30, %dot_general3A {dimension_numbers = #tpu.dot_dimension_numbers<[1], [0], [0], [1], [0, 0, 1, 1], [], []>, transpose_lhs_hint = false} : vector<1000x128xf32>, vector<128x128xf32>, vector<1000x128xf32> -> vector<1000x128xf32>
    %get3A_32 = arith.constant 0 : index
    %get3A_33 = arith.constant 0 : index
    %get3A_34 = vector.load %arg5[%get3A_32, %get3A_33] : memref<128x128xf32, #tpu.memory_space<vmem>>, vector<128x128xf32>
    %dot_general3A_35 = arith.constant dense<0.000000e+00> : vector<1000x128xf32>
    %dot_general3A_36 = tpu.matmul %mul3A_24, %get3A_34, %dot_general3A_35 {dimension_numbers = #tpu.dot_dimension_numbers<[1], [0], [0], [1], [0, 0, 1, 1], [], []>, transpose_lhs_hint = false} : vector<1000x128xf32>, vector<128x128xf32>, vector<1000x128xf32> -> vector<1000x128xf32>
    %add3A_37 = arith.addf %dot_general3A_31, %dot_general3A_36 : vector<1000x128xf32>
    %get3A_38 = arith.constant 0 : index
    %get3A_39 = arith.constant 0 : index
    %get3A_40 = vector.load %arg6[%get3A_38, %get3A_39] : memref<1x128xf32, #tpu.memory_space<vmem>>, vector<1x128xf32>
    %add3A_41 = vector.broadcast %get3A_40 : vector<1x128xf32> to vector<1000x128xf32>
    %add3A_42 = arith.addf %add3A_37, %add3A_41 : vector<1000x128xf32>
    %swap3A = arith.constant 0 : index
    %swap3A_43 = arith.constant 0 : index
    %swap3A_44 = vector.load %arg7[%swap3A, %swap3A_43] : memref<1000x128xf32, #tpu.memory_space<vmem>>, vector<1000x128xf32>
    tpu.vector_store %arg7[%swap3A, %swap3A_43], %add3A_42 {strides = array<i32>} : memref<1000x128xf32, #tpu.memory_space<vmem>>, vector<1000x128xf32>,
    return
  }
  func.func @transform_0(%arg0: i32) -> (i32, i32) {
    %c0_i32 = arith.constant 0 : i32
    %c0_i32_0 = arith.constant 0 : i32
    return %arg0, %c0_i32 : i32, i32
  }
  func.func @transform_1(%arg0: i32) -> (i32, i32, i32) {
    %c0_i32 = arith.constant 0 : i32
    %c0_i32_0 = arith.constant 0 : i32
    %c0_i32_1 = arith.constant 0 : i32
    return %c0_i32, %arg0, %c0_i32_0 : i32, i32, i32
  }
  func.func @transform_2(%arg0: i32) -> (i32, i32, i32) {
    %c0_i32 = arith.constant 0 : i32
    %c0_i32_0 = arith.constant 0 : i32
    %c0_i32_1 = arith.constant 0 : i32
    return %c0_i32, %arg0, %c0_i32_0 : i32, i32, i32
  }
  func.func @transform_3(%arg0: i32) -> (i32, i32) {
    %c0_i32 = arith.constant 0 : i32
    %c0_i32_0 = arith.constant 0 : i32
    %c0_i32_1 = arith.constant 0 : i32
    return %c0_i32, %c0_i32_0 : i32, i32
  }
  func.func @transform_4(%arg0: i32) -> (i32, i32) {
    %c0_i32 = arith.constant 0 : i32
    %c0_i32_0 = arith.constant 0 : i32
    %c0_i32_1 = arith.constant 0 : i32
    return %c0_i32, %c0_i32_0 : i32, i32
  }
  func.func @transform_5(%arg0: i32) -> (i32, i32) {
    %c0_i32 = arith.constant 0 : i32
    %c0_i32_0 = arith.constant 0 : i32
    %c0_i32_1 = arith.constant 0 : i32
    return %c0_i32, %c0_i32_0 : i32, i32
  }
  func.func @transform_6(%arg0: i32) -> (i32, i32) {
    %c0_i32 = arith.constant 0 : i32
    %c0_i32_0 = arith.constant 0 : i32
    return %arg0, %c0_i32 : i32, i32
  }
}

</mosaic_0001>

<sc_bundles>
// kernel: kernel.12.cloned.1.call-start
scs
__scs_entry_jumppad:
0x0: {  	(pc) =	sbr.rel $0x88, $3  }
0x1: {  	(tag) =	ssettag $0x0;
	lr =	simm.s32 $0x1  }
0x2: {  	[smem:$0x3F96] =	sst lr;
	_ =	strace $0xD0000000  }
0x3: {  	_ = 	snop  }
0x4: {  	_ = 	snop  }
0x5: {  	_ = 	snop  }
0x6: {  	_ = 	snop  }
0x7: {  	_ = 	snop  }
__scs_overlays_trampoline_lowered:
0x8: {  	[smem:$0x3FA5] =	sst s0  }
0x9: {  	[smem:$0x3FA6] =	sst s1  }
0xa: {  	[smem:$0x3FA7] =	sst s2  }
0xb: {  	[smem:$0x3FA8] =	sst s3  }
0xc: {  	[smem:$0x3FA9] =	sst s4  }
0xd: {  	[smem:$0x3FAA] =	sst s5  }
0xe: {  	[smem:$0x3FAB] =	sst s6  }
0xf: {  	[smem:$0x3FAC] =	sst s7  }
0x10: {  	[smem:$0x3FAD] =	sst s8  }
0x11: {  	[smem:$0x3FAE] =	sst s9;
	s0 =	simm.s32 @!p0 $0x0  }
0x12: {  	s1 =	sld [smem:$0x3F94];
	s0 =	simm.s32 @p0 $0x1  }
0x13: {  	[smem:$0x3FAF] =	sst s0;
	s0 =	simm.s32 @!p1 $0x0  }
0x14: {  	s2 =	sld [smem:$0x3F93];
	s0 =	simm.s32 @p1 $0x1  }
0x15: {  	[smem:$0x3FB0] =	sst s0;
	s0 =	simm.s32 @!p2 $0x0  }
0x16: {  	s3 =	sld [smem:$0x3FDB];
	s0 =	simm.s32 @p2 $0x1  }
0x17: {  	s4 =	simm.s32 $0x1BF5;
	[smem:$0x3FB2] =	sst s0  }
0x18: {  	s0 =	sld [smem:$0x3F95];
	_ =	swait.ge [sflag:s4], $0x0  }
0x19: {  	s7 =	sld [smem:$0x3F96]  }
0x1a: {  	s8 =	sadd.s32 $0xFFFFE003, lr  }
0x1b: {  	s9 =	sadd.s32 $0xFFFFFEF7, lr;
	s5 =	simm.s32 $0xFFFFFFFF;
	p2 =	slt.u32 s8, $0xFFFFF086  }
0x1c: {  	p1 =	slt.u32 s9, $0xF7A;
	s5 =	simm.s32 @!p2 $0x0  }
0x1d: {  	s5 =	simm.s32 @p1 $0x1;
	p0 =	seq.s32 s7, s2  }
0x1e: {  	s7 =	smul.u32 @!p0 $0xF7A, s2;
	p2 =	seq.s32 @!p0 s5, $0x0  }
0x1f: {  	s9 =	smul.u32 $0xF7A, s1;
	s8 =	simm.s32 @!p0 $0x1BF5;
	p2 =	por !p2, p0  }
0x20: {  	[sflag:s8] =	ssyncset.s32 @!p0 $0xFFFFF086;
	s6 =	sadd.s32 @!p0 s3, s7;
	s7 =	simm.s32 @!p0 $0x108  }
0x21: {  	s3 =	sadd.s32 s3, s9;
	s6 =	sadd.s32 @!p0 $0x88, s6;
	s7 =	simm.s32 @p2 $0x1082  }
0x22: {  	[simem:s7], [sflag:s8] =	dma.local @!p0 [hbm:s6], $0xF7A  }
0x23: {  	s9 =	sor.u32 $0xD0000000, s2;
	s6 =	simm.s32 $0x108;
	_ =	swait.ge @!p0 [sflag:s8], $0x0  }
0x24: {  	s3 =	sadd.s32 $0x88, s3;
	s6 =	simm.s32 @!p1 $0x1082;
	[sflag:s4] =	ssyncset.s32 $0xFFFFF086  }
0x25: {  	[simem:s6], [sflag:s4] =	dma.local [hbm:s3], $0xF7A  }
0x26: {  	[smem:$0x3F96] =	sst s1;
	(tag) =	ssettag s2;
	_ =	strace s9  }
0x27: {  	s1 =	sld [smem:$0x3FA6]  }
0x28: {  	s2 =	sld [smem:$0x3FA7]  }
0x29: {  	s4 =	sld [smem:$0x3FA9]  }
0x2a: {  	p0 =	seq.s32 s5, $0x0;
	s5 =	sld [smem:$0x3FAA]  }
0x2b: {  	s6 =	sld [smem:$0x3FAB]  }
0x2c: {  	s7 =	sld [smem:$0x3FAC]  }
0x2d: {  	s3 =	simm.s32 $0x108;
	s8 =	sld [smem:$0x3FAD]  }
0x2e: {  	s3 =	simm.s32 @!p0 $0x1082;
	s9 =	sld [smem:$0x3FAE]  }
0x2f: {  	lr =	sadd.s32 s0, s3;
	s0 =	sld [smem:$0x3FA5]  }
0x30: {  	s3 =	sld [smem:$0x3FA8]  }
0x31: {  	[smem:$0x3FB1] =	sst s10  }
0x32: {  	s10 =	sld [smem:$0x3FAF];
	_ =	sdelay $0x3  }
0x33: {  	p0 =	seq.s32 s10, $0x1;
	s10 =	sld [smem:$0x3FB1];
	_ =	sdelay $0x3  }
0x34: {  	[smem:$0x3FB1] =	sst s10  }
0x35: {  	s10 =	sld [smem:$0x3FB0];
	_ =	sdelay $0x3  }
0x36: {  	p1 =	seq.s32 s10, $0x1;
	s10 =	sld [smem:$0x3FB1];
	_ =	sdelay $0x3  }
0x37: {  	[smem:$0x3FB1] =	sst s10  }
0x38: {  	s10 =	sld [smem:$0x3FB2]  }
0x39: {  	_ = 	snop;
	(pc) =	sbr.ind lr, $3  }
0x3a: {  	_ = 	snop  }
0x3b: {  	_ = 	snop  }
0x3c: {  	p2 =	seq.s32 s10, $0x1;
	s10 =	sld [smem:$0x3FB1]  }
0x3d: {  	_ =	shalt  }
0x3e: {  	_ =	shalt  }
0x3f: {  	_ =	shalt  }
0x40: {  	_ =	shalt  }
0x41: {  	_ =	shalt  }
0x42: {  	_ =	shalt  }
0x43: {  	_ =	shalt  }
0x44: {  	_ =	shalt  }
0x45: {  	_ =	shalt  }
0x46: {  	_ =	shalt  }
0x47: {  	_ =	shalt  }
0x48: {  	_ =	shalt  }
0x49: {  	_ =	shalt  }
0x4a: {  	_ =	shalt  }
0x4b: {  	_ =	shalt  }
0x4c: {  	_ =	shalt  }
0x4d: {  	_ =	shalt  }
0x4e: {  	_ =	shalt  }
0x4f: {  	_ =	shalt  }
0x50: {  	_ =	shalt  }
0x51: {  	_ =	shalt  }
0x52: {  	_ =	shalt  }
0x53: {  	_ =	shalt  }
0x54: {  	_ =	shalt  }
0x55: {  	_ =	shalt  }
0x56: {  	_ =	shalt  }
0x57: {  	_ =	shalt  }
0x58: {  	_ =	shalt  }
0x59: {  	_ =	shalt  }
0x5a: {  	_ =	shalt  }
0x5b: {  	_ =	shalt  }
0x5c: {  	_ =	shalt  }
0x5d: {  	_ =	shalt  }
0x5e: {  	_ =	shalt  }
0x5f: {  	_ =	shalt  }
0x60: {  	_ =	shalt  }
0x61: {  	_ =	shalt  }
0x62: {  	_ =	shalt  }
0x63: {  	_ =	shalt  }
0x64: {  	_ =	shalt  }
0x65: {  	_ =	shalt  }
0x66: {  	_ =	shalt  }
0x67: {  	_ =	shalt  }
0x68: {  	_ =	shalt  }
0x69: {  	_ =	shalt  }
0x6a: {  	_ =	shalt  }
0x6b: {  	_ =	shalt  }
0x6c: {  	_ =	shalt  }
0x6d: {  	_ =	shalt  }
0x6e: {  	_ =	shalt  }
0x6f: {  	_ =	shalt  }
0x70: {  	_ =	shalt  }
0x71: {  	_ =	shalt  }
0x72: {  	_ =	shalt  }
0x73: {  	_ =	shalt  }
0x74: {  	_ =	shalt  }
0x75: {  	_ =	shalt  }
0x76: {  	_ =	shalt  }
0x77: {  	_ =	shalt  }
0x78: {  	_ =	shalt  }
0x79: {  	_ =	shalt  }
0x7a: {  	_ =	shalt  }
0x7b: {  	_ =	shalt  }
0x7c: {  	_ =	shalt  }
0x7d: {  	_ =	shalt  }
0x7e: {  	_ =	shalt  }
0x7f: {  	_ =	shalt  }
0x80: {  	_ =	shalt  }
0x81: {  	_ =	shalt  }
0x82: {  	_ =	shalt  }
0x83: {  	_ =	shalt  }
0x84: {  	_ =	shalt  }
0x85: {  	_ =	shalt  }
0x86: {  	_ =	shalt  }
0x87: {  	_ =	shalt  }
.Lfunc_end0:
.L_simem_size_0:
called_computation.1_lowered:
.L_overlay_start_0:
0x88: {  	s2 =	sld [smem:$0x3FD9]  }
0x89: {  	s3 =	sld [smem:$0x3FFE];
	_ =	sdelay $0x1  }
0x8a: {  	s1 =	srdreg.scid  }
0x8b: {  	s0 =	sand.u32 $0x1, s1  }
0x8c: {  	s17 =	sshll.u32 s0, $0xA;
	s2 =	sadd.s32 s3, s2  }
0x8d: {  	s2 =	sadd.s32 s2, s17  }
0x8e: {  	[smem:$0x3FBD] =	sst s2  }
0x8f: {  	_ = 	snop  }
0x90: {  	s18 =	sld [smem:$0x3FC9];
	(tm) =	ssettm $0x1  }
0x91: {  	s19 =	sld [smem:$0x3FFB];
	_ =	sdelay $0x3  }
0x92: {  	_ =	strace s19  }
0x93: {  	s2 =	sld [smem:$0x3FFC];
	_ =	sdelay $0x3  }
0x94: {  	_ =	strace s2  }
0x95: {  	s2 =	sld [smem:$0x3FFD];
	_ =	sdelay $0x3  }
0x96: {  	_ =	strace s2  }
0x97: {  	_ =	strace $0x8FFFFFFF  }
0x98: {  	s20 =	sld [smem:$0x3FDB];
	_ =	sdelay $0x1  }
0x99: {  	s4 =	simm.s32 $_scs_section_size  }
0x9a: {  	s5 =	simm.s32 $_size__tile_overlayer_lowered;
	s6 =	simm.s32 $_tile_overlayer_lowered  }
0x9b: {  	s7 =	simm.s32 $0x1BFF;
	s21 =	sshll.u32 s6, $0x1;
	s4 =	sadd.s32 s4, s20  }
0x9c: {  	s22 =	simm.s32 $0x0;
	s5 =	sshll.u32 s5, $0x1;
	s6 =	sadd.s32 s21, s4  }
0x9d: {  	[timem:s22], [sflag:s7] =	dma.local [hbm:s6], s5  }
0x9e: {  	_ =	swait.ge [sflag:s7], s5  }
0x9f: {  	s5 =	ssub.s32 $0x0, s5;
	[sflag:s7] =	ssyncset.done $0x0  }
0xa0: {  	[sflag:s7] =	ssyncadd.s32 s5;
	_ =	sdelay $0x1  }
0xa1: {  	s23 =	simm.s32 $0x1B8B  }
0xa2: {  	_ =	swait.ge [sflag:s23], $0x1  }
0xa3: {  	[sflag:s23] =	ssyncset.done $0x0  }
0xa4: {  	[sflag:s23] =	ssyncadd.s32 $0xFFFFFFFF  }
0xa5: {  	s5 =	sld [smem:$0x0]  }
0xa6: {  	s6 =	sand.u32 $0xFFFFFFFE, s1  }
0xa7: {  	p0 =	sne.s32 s1, s6  }
0xa8: {  	s6 =	sshll.u32 @p0 s6, $0xE  }
0xa9: {  	s6 =	sadd.s32 @p0 $0x11B8D, s6;
	s7 =	sshll.u32 @p0 s5, $0x11  }
0xaa: {  	s6 =	sor.u32 @p0 s7, s6  }
0xab: {  	[sflag:s6] =	ssyncadd.remote.s32 @p0 $0x1;
	_ =	sdelay $0x1  }
0xac: {  	s6 =	simm.s32 @p0 $0x1B8D  }
0xad: {  	_ =	swait.eq @p0 [sflag:s6], $0x1  }
0xae: {  	[sflag:s6] =	ssyncadd.s32 @p0 $0xFFFFFFFF  }
0xaf: {  	s7 =	sshll.u32 @!p0 s1, $0xE  }
0xb0: {  	s7 =	sor.u32 @!p0 $0x4000, s7;
	s6 =	simm.s32 @!p0 $0x1B8D  }
0xb1: {  	s5 =	sshll.u32 @!p0 s5, $0x11;
	s7 =	sadd.s32 @!p0 $0x11B8D, s7;
	_ =	swait.eq @!p0 [sflag:s6], $0x1  }
0xb2: {  	s5 =	sor.u32 @!p0 s5, s7;
	[sflag:s6] =	ssyncadd.s32 @!p0 $0xFFFFFFFF  }
0xb3: {  	s25 =	simm.s32 $0x1B8E;
	s24 =	sld [smem:$0x3FFE];
	[sflag:s5] =	ssyncadd.remote.s32 @!p0 $0x1  }
0xb4: {  	s26 =	simm.s32 $execute0_lowered;
	[smem:$0x3FD2] =	sst s25  }
0xb5: {  	s6 =	sshll.u32 s26, $0x1;
	_ =	strace $0x80000049;
	[dreg:$0x1] =	wrdreg $0xFFFFFFFF  }
0xb6: {  	s28 =	simm.s32 $_size_execute0_lowered;
	s4 =	sadd.s32 s4, s6;
	[dreg:$0x0] =	wrdreg $0x0  }
0xb7: {  	s6 =	sshll.u32 s28, $0x1;
	[dreg:$0x2] =	wrdreg s4  }
0xb8: {  	[dreg:$0x3] =	wrdreg s6  }
0xb9: {  	[dreg:$0x4] =	wrdreg $0xC0  }
0xba: {  	_ =	task [dreg:s22], $0x5FFFF  }
0xbb: {  	[dreg:$0x1] =	wrdreg $0xFFFFFFFF  }
0xbc: {  	[dreg:$0x0] =	wrdreg $0x60  }
0xbd: {  	[dreg:$0x2] =	wrdreg s18  }
0xbe: {  	[dreg:$0x3] =	wrdreg s24  }
0xbf: {  	[dreg:$0x4] =	wrdreg $0x70000  }
0xc0: {  	[dreg:$0x5] =	wrdreg $0xA  }
0xc1: {  	_ =	task.clear_ibuf [dreg:s22], $0x6FFFF;
	_ =	strace $0x90000049  }
0xc2: {  	s29 =	simm.s32 $0xA;
	_ =	strace $0x8000004B  }
0xc3: {  	_ =	swait.ge [sflag:s29], $0x1  }
0xc4: {  	[sflag:s29] =	ssyncadd.s32 $0xFFFFFFFF  }
0xc5: {  	_ =	strace $0x9000004B  }
0xc6: {  	_ =	sfence  }
0xc7: {  	s30 =	sld [smem:$0x0];
	_ =	sdelay $0x2  }
0xc8: {  	s31 =	sshll.u32 s1, $0xD;
	s1 =	sshrl.u32 s1, $0x2  }
0xc9: {  	s4 =	sand.u32 $0x4000, s31;
	s1 =	sadd.s32 s1, s30  }
0xca: {  	s0 =	sor.u32 s4, s0;
	s1 =	sshll.u32 s1, $0x11  }
0xcb: {  	s0 =	sor.u32 s1, s0  }
0xcc: {  	s0 =	sadd.s32 $0x8F2B, s0  }
0xcd: {  	[sflag:s0] =	ssyncadd.remote.s32 $0x1  }
0xce: {  	_ =	sfence.sel $0xFFFF  }
0xcf: {  	[dreg:$0x0] =	wrdreg $0xFFFFFFFF;
	(pc) =	sbr.abs _section_cstart, $3  }
0xd0: {  	[dreg:$0x1] =	wrdreg $0xFFFFFFFF  }
0xd1: {  	_ =	task.clear_ibuf [dreg:s22], $0x2FFFF;
	_ =	strace $0x9FFFFFFF  }
0xd2: {  	(tm) =	ssettm $0x7FFFFFFF  }
0xd3: {  	_ =	shalt  }
tec
execute0_lowered:
.L_overlay_start_1:
0x0: {  	(tag) =	ssettag $0x1  }
0x1: {  	s2 =	rddreg [dreg:$0x0]  }
0x2: {  	s7 =	rddreg [dreg:$0x1]  }
0x3: {  	s3 =	rddreg [dreg:$0x2]  }
0x4: {  	s0 =	rddreg [dreg:$0x3];
	s1 =	stileid.u32  }
0x5: {  	s5 =	srdreg.scid;
	s4 =	simm.s32 $0x0;
	s15 =	simm.s32 $0x50  }
0x6: {  	s16 =	simm.s32 $0x2000;
	s17 =	simm.s32 $0x4800;
	s18 =	simm.s32 $0x1  }
0x7: {  	s19 =	simm.s32 $0x1C00;
	s8 =	smul.u32 $0x14000, s1;
	s9 =	sand.u32 $0x1, s5  }
0x8: {  	[smem:$0x7FF] =	sst s4;
	s5 =	sadd.s32 $0x8F000, s7;
	s6 =	sadd.s32 $0x3000, s7  }
0x9: {  	s12 =	smul.u32 $0x50000, s1;
	s29 =	sshll.u32 s1, $0x1;
	s31 =	sshll.u32 s1, $0x6  }
0xa: {  	s10 =	smul.u32 $0x140000, s9;
	_ =	strace $0x8000004A;
	s26 =	ssub.s32 $0x2, s9  }
0xb: {  	s9 =	sor.u32 s9, s29;
	s11 =	sshrl.u32 s8, $0x3;
	s28 =	sshrl.u32 s26, $0x1  }
0xc: {  	s30 =	sshrl.u32 s12, $0x2;
	s9 =	smul.u32 $0x5000, s9;
	s8 =	sadd.s32 s8, s10  }
0xd: {  	s11 =	sadd.s32 s11, s7;
	s12 =	sadd.s32 s30, s3;
	s8 =	sshrl.u32 s8, $0x3  }
0xe: {  	s14 =	ssub.s32 s26, s28;
	s12 =	sshrl.u32 s12, $0x3;
	s13 =	sadd.s32 s8, s7  }
0xf: {  	s7 =	sadd.s32 $0x17000, s11;
	s8 =	sor.u32 $0x1C02, s31;
	s11 =	smax.u32 s14, $0x1  }
0x10: {  	s14 =	simm.s32 $0x1000;
	s10 =	sadd.s32 $0xA3000, s13;
	s13 =	simm.s32 $0x2  }
.LBB2_1:
0x11: {  	[spmem:s12], [sflag:s8] =	dma.local [hbm:s7], $0x2800  }
0x12: {  	_ =	swait.ge [sflag:s13], $0x2800  }
0x13: {  	[sflag:s13] =	ssyncset.done $0x0  }
0x14: {  	[sflag:s13] =	ssyncadd.s32 $0xFFFFD800  }
0x15: {  	s20 =	simm.s32 $0x0;
	[bflag:$0x0] =	sbarrier.arrive $0xFFFF  }
.LBB2_2:
0x16: {  	s21 =	sshll.u32 s20, $0xC  }
0x17: {  	s21 =	sadd.s32 s9, s21  }
0x18: {  	s21 =	sshrl.u32 s21, $0x3  }
0x19: {  	s23 =	simm.s32 $0x0;
	s22 =	sadd.s32 s5, s21  }
0x1a: {  	[tilespmem:s23], [sflag:$0x2] =	stream.linear.gather [hbm4b:s22+s23], $0xC80, $0x38;
	[tilespmem:$0x1B000] =	vst v63  }
0x1b: {  	_ =	swait.ge [sflag:s13], $0xC80  }
0x1c: {  	[sflag:s13] =	ssyncset.done $0x0  }
0x1d: {  	s21 =	sadd.s32 s6, s21;
	[sflag:s13] =	ssyncadd.s32 $0xFFFFF380  }
0x1e: {  	[tilespmem:s14], [sflag:$0x2] =	stream.linear.gather [hbm4b:s21+s23], $0xC80, $0x38;
	[tilespmem:$0x1B000] =	vst v63  }
0x1f: {  	_ =	swait.ge [sflag:s13], $0xC80  }
0x20: {  	[sflag:s13] =	ssyncset.done $0x0  }
0x21: {  	[sflag:s13] =	ssyncadd.s32 $0xFFFFF380  }
0x22: {  	[tilespmem:s16], [sflag:$0x1] =	stream.indirect.gather [hbm4b:s2+s15], $0x80, s23, s15, $0xb8;
	[tilespmem:$0x1B000] =	vst v63  }
0x23: {  	s28 =	simm.s32 $0x80  }
0x24: {  	[tilespmem:s17], [sflag:$0x1] =	stream.indirect.gather [hbm4b:s2+s15], $0x80, s28, s15, $0xb8;
	[tilespmem:$0x1B000] =	vst v63  }
0x25: {  	_ =	swait.ge [sflag:s18], $0x2800  }
0x26: {  	[sflag:s18] =	ssyncset.done $0x0  }
0x27: {  	s29 =	simm.s32 $0x1000;
	[sflag:s18] =	ssyncadd.s32 $0xFFFFD800  }
0x28: {  	[spmem:s3] =	stream.indirect.scatter.add.f32 [tilespmem:s16], [sflag:$0x2], $0x80, s29, s15, $0xb8;
	[tilespmem:$0x1B000] =	vst v63  }
0x29: {  	_ =	swait.ge [sflag:s13], $0x2800  }
0x2a: {  	[sflag:s13] =	ssyncset.done $0x0  }
0x2b: {  	s30 =	simm.s32 $0x100;
	[sflag:s13] =	ssyncadd.s32 $0xFFFFD800  }
0x2c: {  	[tilespmem:s16], [sflag:$0x1] =	stream.indirect.gather [hbm4b:s2+s15], $0x80, s30, s15, $0xb8;
	[tilespmem:$0x1B000] =	vst v63  }
0x2d: {  	_ =	swait.ge [sflag:s18], $0x2800  }
0x2e: {  	[sflag:s18] =	ssyncset.done $0x0  }
0x2f: {  	s31 =	simm.s32 $0x1080;
	[sflag:s18] =	ssyncadd.s32 $0xFFFFD800  }
0x30: {  	[spmem:s3] =	stream.indirect.scatter.add.f32 [tilespmem:s17], [sflag:$0x2], $0x80, s31, s15, $0xb8;
	[tilespmem:$0x1B000] =	vst v63  }
0x31: {  	_ =	swait.ge [sflag:s13], $0x2800  }
0x32: {  	s22 =	simm.s32 $0x800;
	s21 =	simm.s32 $0x100;
	[sflag:s13] =	ssyncset.done $0x0  }
.LBB2_3:
0x33: {  	s23 =	sadd.s32 $0x80, s21  }
0x34: {  	[sflag:s13] =	ssyncadd.s32 $0xFFFFD800;
	s24 =	smov.u32 s22;
	s25 =	sadd.s32 $0x400, s22  }
0x35: {  	[tilespmem:s17], [sflag:$0x1] =	stream.indirect.gather [hbm4b:s2+s15], $0x80, s23, s15, $0xb8;
	[tilespmem:$0x1B000] =	vst v63  }
0x36: {  	p0 =	sne.s32 s22, $0x2C00;
	_ =	swait.ge [sflag:s18], $0x2800  }
0x37: {  	[sflag:s18] =	ssyncset.done $0x0  }
0x38: {  	s22 =	sadd.s32 $0x1000, s21;
	[sflag:s18] =	ssyncadd.s32 $0xFFFFD800  }
0x39: {  	[spmem:s3] =	stream.indirect.scatter.add.f32 [tilespmem:s16], [sflag:$0x2], $0x80, s22, s15, $0xb8;
	[tilespmem:$0x1B000] =	vst v63  }
0x3a: {  	_ =	swait.ge [sflag:s13], $0x2800  }
0x3b: {  	[sflag:s13] =	ssyncset.done $0x0  }
0x3c: {  	s22 =	sadd.s32 $0x100, s21;
	[sflag:s13] =	ssyncadd.s32 $0xFFFFD800  }
0x3d: {  	[tilespmem:s16], [sflag:$0x1] =	stream.indirect.gather [hbm4b:s2+s15], $0x80, s22, s15, $0xb8;
	[tilespmem:$0x1B000] =	vst v63  }
0x3e: {  	_ =	swait.ge [sflag:s18], $0x2800  }
.Ltmp0:
0x3f: {  	[sflag:s18] =	ssyncset.done $0x0;
	(pc) =	sbr.rel @p0 .LBB2_3-.Ltmp0, $4  }
0x40: {  	s21 =	sadd.s32 $0x1080, s21;
	[sflag:s18] =	ssyncadd.s32 $0xFFFFD800  }
0x41: {  	[spmem:s3] =	stream.indirect.scatter.add.f32 [tilespmem:s17], [sflag:$0x2], $0x80, s21, s15, $0xb8;
	[tilespmem:$0x1B000] =	vst v63  }
0x42: {  	_ =	swait.ge [sflag:s13], $0x2800  }
0x43: {  	s22 =	smov.u32 s25;
	s21 =	sshra.s32 s24, $0x2;
	[sflag:s13] =	ssyncset.done $0x0  }
0x44: {  	s22 =	sadd.s32 $0x80, s21;
	[sflag:s13] =	ssyncadd.s32 $0xFFFFD800  }
0x45: {  	[tilespmem:s17], [sflag:$0x1] =	stream.indirect.gather [hbm4b:s2+s15], $0x80, s22, s15, $0xb8;
	[tilespmem:$0x1B000] =	vst v63  }
0x46: {  	_ =	swait.ge [sflag:s18], $0x2800  }
0x47: {  	[sflag:s18] =	ssyncset.done $0x0  }
0x48: {  	s29 =	sadd.s32 $0x1000, s21;
	[sflag:s18] =	ssyncadd.s32 $0xFFFFD800  }
0x49: {  	[spmem:s3] =	stream.indirect.scatter.add.f32 [tilespmem:s16], [sflag:$0x2], $0x80, s29, s15, $0xb8;
	[tilespmem:$0x1B000] =	vst v63  }
0x4a: {  	_ =	swait.ge [sflag:s13], $0x2800  }
0x4b: {  	[sflag:s13] =	ssyncset.done $0x0  }
0x4c: {  	s30 =	sadd.s32 $0x100, s21;
	[sflag:s13] =	ssyncadd.s32 $0xFFFFD800  }
0x4d: {  	[tilespmem:s16], [sflag:$0x1] =	stream.indirect.gather [hbm4b:s2+s15], $0x80, s30, s15, $0xb8;
	[tilespmem:$0x1B000] =	vst v63  }
0x4e: {  	_ =	swait.ge [sflag:s18], $0x2800  }
0x4f: {  	[sflag:s18] =	ssyncset.done $0x0  }
0x50: {  	s31 =	sadd.s32 $0x1080, s21;
	[sflag:s18] =	ssyncadd.s32 $0xFFFFD800  }
0x51: {  	[spmem:s3] =	stream.indirect.scatter.add.f32 [tilespmem:s17], [sflag:$0x2], $0x80, s31, s15, $0xb8;
	[tilespmem:$0x1B000] =	vst v63  }
0x52: {  	_ =	swait.ge [sflag:s13], $0x2800  }
0x53: {  	[sflag:s13] =	ssyncset.done $0x0  }
0x54: {  	[sflag:s13] =	ssyncadd.s32 $0xFFFFD800  }
0x55: {  	s20 =	sadd.s32 $0x1, s20;
	_ =	swait.ge [sflag:s18], $0x2800  }
0x56: {  	p0 =	sne.s32 s20, $0x5;
	[sflag:s18] =	ssyncset.done $0x0  }
.Ltmp1:
0x57: {  	[sflag:s18] =	ssyncadd.s32 $0xFFFFD800;
	(pc) =	sbr.rel @p0 .LBB2_2-.Ltmp1, $4  }
0x58: {  	[spmem:s3] =	stream.indirect.scatter.add.f32 [tilespmem:s16], [sflag:$0x2], $0x80, s19, s15, $0xb8;
	[tilespmem:$0x1B000] =	vst v63  }
0x59: {  	_ =	swait.ge [sflag:s13], $0x2800  }
0x5a: {  	[sflag:s13] =	ssyncset.done $0x0  }
0x5b: {  	[sflag:s13] =	ssyncadd.s32 $0xFFFFD800  }
0x5c: {  	s4 =	sadd.s32 $0x1, s4  }
0x5d: {  	p0 =	sne.s32 s4, s11  }
.Ltmp2:
0x5e: {  	[bflag:$0x0] =	sbarrier.arrive $0xFFFF;
	(pc) =	sbr.rel @p0 .LBB2_1-.Ltmp2, $4  }
0x5f: {  	[hbm:s10], [sflag:s8] =	dma.local [spmem:s12], $0x2800  }
0x60: {  	_ =	swait.ge [sflag:s13], $0x2800  }
0x61: {  	[sflag:s13] =	ssyncset.done $0x0  }
0x62: {  	[sflag:s13] =	ssyncadd.s32 $0xFFFFD800  }
0x63: {  	_ =	sfence.sel $0x180000  }
0x64: {  	[bflag:$0x0] =	sbarrier.arrive $0xFFFF  }
0x65: {  	p0 =	sne.s32 s1, $0x0;
	_ =	strace $0x9000004A  }
0x66: {  	s0 =	sadd.s32 @!p0 $0x100000, s0;
	[bflag:$0x2] =	sbarrier.arrive $0xFFFF  }
0x67: {  	[sflag:s0] =	ssyncadd.tile.s32 @!p0 $0x1;
	_ =	shalt  }
.Lfunc_end2:
_tile_overlayer_lowered:
.L_overlay_start_2:
0x68: {  	(tag) =	ssettag $0x2  }
0x69: {  	s0 =	rddreg [dreg:$0x0];
	s2 =	stileid.u32  }
0x6a: {  	s1 =	rddreg [dreg:$0x1];
	p0 =	sne.s32 s2, $0x0  }
0x6b: {  	s3 =	rddreg [dreg:$0x2];
	[bflag:$0x3] =	sbarrier.arrive $0xFFFF;
	s2 =	simm.s32 @!p0 $0x1C02  }
0x6c: {  	[timem:s3], [sflag:s2] =	dma.local @!p0 [hbm:s0], s1  }
0x6d: {  	s0 =	simm.s32 @!p0 $0x2  }
0x6e: {  	_ =	swait.ge @!p0 [sflag:s0], s1  }
0x6f: {  	s1 =	ssub.s32 @!p0 $0x0, s1;
	[sflag:s0] =	ssyncset.done @!p0 $0x0  }
0x70: {  	[sflag:s0] =	ssyncadd.s32 @!p0 s1  }
0x71: {  	[bflag:$0x3] =	sbarrier.arrive $0xFFFF  }
0x72: {  	_ =	shalt  }

// kernel: kernel.15.cloned.1.call-start
scs
__scs_entry_jumppad:
0x0: {  	(pc) =	sbr.rel $0x88, $3  }
0x1: {  	(tag) =	ssettag $0x0;
	lr =	simm.s32 $0x1  }
0x2: {  	[smem:$0x3F96] =	sst lr;
	_ =	strace $0xD0000000  }
0x3: {  	_ = 	snop  }
0x4: {  	_ = 	snop  }
0x5: {  	_ = 	snop  }
0x6: {  	_ = 	snop  }
0x7: {  	_ = 	snop  }
__scs_overlays_trampoline_lowered:
0x8: {  	[smem:$0x3FA5] =	sst s0  }
0x9: {  	[smem:$0x3FA6] =	sst s1  }
0xa: {  	[smem:$0x3FA7] =	sst s2  }
0xb: {  	[smem:$0x3FA8] =	sst s3  }
0xc: {  	[smem:$0x3FA9] =	sst s4  }
0xd: {  	[smem:$0x3FAA] =	sst s5  }
0xe: {  	[smem:$0x3FAB] =	sst s6  }
0xf: {  	[smem:$0x3FAC] =	sst s7  }
0x10: {  	[smem:$0x3FAD] =	sst s8  }
0x11: {  	[smem:$0x3FAE] =	sst s9;
	s0 =	simm.s32 @!p0 $0x0  }
0x12: {  	s1 =	sld [smem:$0x3F94];
	s0 =	simm.s32 @p0 $0x1  }
0x13: {  	[smem:$0x3FAF] =	sst s0;
	s0 =	simm.s32 @!p1 $0x0  }
0x14: {  	s2 =	sld [smem:$0x3F93];
	s0 =	simm.s32 @p1 $0x1  }
0x15: {  	[smem:$0x3FB0] =	sst s0;
	s0 =	simm.s32 @!p2 $0x0  }
0x16: {  	s3 =	sld [smem:$0x3FDB];
	s0 =	simm.s32 @p2 $0x1  }
0x17: {  	s4 =	simm.s32 $0x1BF5;
	[smem:$0x3FB2] =	sst s0  }
0x18: {  	s0 =	sld [smem:$0x3F95];
	_ =	swait.ge [sflag:s4], $0x0  }
0x19: {  	s7 =	sld [smem:$0x3F96]  }
0x1a: {  	s8 =	sadd.s32 $0xFFFFE003, lr  }
0x1b: {  	s9 =	sadd.s32 $0xFFFFFEF7, lr;
	s5 =	simm.s32 $0xFFFFFFFF;
	p2 =	slt.u32 s8, $0xFFFFF086  }
0x1c: {  	p1 =	slt.u32 s9, $0xF7A;
	s5 =	simm.s32 @!p2 $0x0  }
0x1d: {  	s5 =	simm.s32 @p1 $0x1;
	p0 =	seq.s32 s7, s2  }
0x1e: {  	s7 =	smul.u32 @!p0 $0xF7A, s2;
	p2 =	seq.s32 @!p0 s5, $0x0  }
0x1f: {  	s9 =	smul.u32 $0xF7A, s1;
	s8 =	simm.s32 @!p0 $0x1BF5;
	p2 =	por !p2, p0  }
0x20: {  	[sflag:s8] =	ssyncset.s32 @!p0 $0xFFFFF086;
	s6 =	sadd.s32 @!p0 s3, s7;
	s7 =	simm.s32 @!p0 $0x108  }
0x21: {  	s3 =	sadd.s32 s3, s9;
	s6 =	sadd.s32 @!p0 $0x88, s6;
	s7 =	simm.s32 @p2 $0x1082  }
0x22: {  	[simem:s7], [sflag:s8] =	dma.local @!p0 [hbm:s6], $0xF7A  }
0x23: {  	s9 =	sor.u32 $0xD0000000, s2;
	s6 =	simm.s32 $0x108;
	_ =	swait.ge @!p0 [sflag:s8], $0x0  }
0x24: {  	s3 =	sadd.s32 $0x88, s3;
	s6 =	simm.s32 @!p1 $0x1082;
	[sflag:s4] =	ssyncset.s32 $0xFFFFF086  }
0x25: {  	[simem:s6], [sflag:s4] =	dma.local [hbm:s3], $0xF7A  }
0x26: {  	[smem:$0x3F96] =	sst s1;
	(tag) =	ssettag s2;
	_ =	strace s9  }
0x27: {  	s1 =	sld [smem:$0x3FA6]  }
0x28: {  	s2 =	sld [smem:$0x3FA7]  }
0x29: {  	s4 =	sld [smem:$0x3FA9]  }
0x2a: {  	p0 =	seq.s32 s5, $0x0;
	s5 =	sld [smem:$0x3FAA]  }
0x2b: {  	s6 =	sld [smem:$0x3FAB]  }
0x2c: {  	s7 =	sld [smem:$0x3FAC]  }
0x2d: {  	s3 =	simm.s32 $0x108;
	s8 =	sld [smem:$0x3FAD]  }
0x2e: {  	s3 =	simm.s32 @!p0 $0x1082;
	s9 =	sld [smem:$0x3FAE]  }
0x2f: {  	lr =	sadd.s32 s0, s3;
	s0 =	sld [smem:$0x3FA5]  }
0x30: {  	s3 =	sld [smem:$0x3FA8]  }
0x31: {  	[smem:$0x3FB1] =	sst s10  }
0x32: {  	s10 =	sld [smem:$0x3FAF];
	_ =	sdelay $0x3  }
0x33: {  	p0 =	seq.s32 s10, $0x1;
	s10 =	sld [smem:$0x3FB1];
	_ =	sdelay $0x3  }
0x34: {  	[smem:$0x3FB1] =	sst s10  }
0x35: {  	s10 =	sld [smem:$0x3FB0];
	_ =	sdelay $0x3  }
0x36: {  	p1 =	seq.s32 s10, $0x1;
	s10 =	sld [smem:$0x3FB1];
	_ =	sdelay $0x3  }
0x37: {  	[smem:$0x3FB1] =	sst s10  }
0x38: {  	s10 =	sld [smem:$0x3FB2]  }
0x39: {  	_ = 	snop;
	(pc) =	sbr.ind lr, $3  }
0x3a: {  	_ = 	snop  }
0x3b: {  	_ = 	snop  }
0x3c: {  	p2 =	seq.s32 s10, $0x1;
	s10 =	sld [smem:$0x3FB1]  }
0x3d: {  	_ =	shalt  }
0x3e: {  	_ =	shalt  }
0x3f: {  	_ =	shalt  }
0x40: {  	_ =	shalt  }
0x41: {  	_ =	shalt  }
0x42: {  	_ =	shalt  }
0x43: {  	_ =	shalt  }
0x44: {  	_ =	shalt  }
0x45: {  	_ =	shalt  }
0x46: {  	_ =	shalt  }
0x47: {  	_ =	shalt  }
0x48: {  	_ =	shalt  }
0x49: {  	_ =	shalt  }
0x4a: {  	_ =	shalt  }
0x4b: {  	_ =	shalt  }
0x4c: {  	_ =	shalt  }
0x4d: {  	_ =	shalt  }
0x4e: {  	_ =	shalt  }
0x4f: {  	_ =	shalt  }
0x50: {  	_ =	shalt  }
0x51: {  	_ =	shalt  }
0x52: {  	_ =	shalt  }
0x53: {  	_ =	shalt  }
0x54: {  	_ =	shalt  }
0x55: {  	_ =	shalt  }
0x56: {  	_ =	shalt  }
0x57: {  	_ =	shalt  }
0x58: {  	_ =	shalt  }
0x59: {  	_ =	shalt  }
0x5a: {  	_ =	shalt  }
0x5b: {  	_ =	shalt  }
0x5c: {  	_ =	shalt  }
0x5d: {  	_ =	shalt  }
0x5e: {  	_ =	shalt  }
0x5f: {  	_ =	shalt  }
0x60: {  	_ =	shalt  }
0x61: {  	_ =	shalt  }
0x62: {  	_ =	shalt  }
0x63: {  	_ =	shalt  }
0x64: {  	_ =	shalt  }
0x65: {  	_ =	shalt  }
0x66: {  	_ =	shalt  }
0x67: {  	_ =	shalt  }
0x68: {  	_ =	shalt  }
0x69: {  	_ =	shalt  }
0x6a: {  	_ =	shalt  }
0x6b: {  	_ =	shalt  }
0x6c: {  	_ =	shalt  }
0x6d: {  	_ =	shalt  }
0x6e: {  	_ =	shalt  }
0x6f: {  	_ =	shalt  }
0x70: {  	_ =	shalt  }
0x71: {  	_ =	shalt  }
0x72: {  	_ =	shalt  }
0x73: {  	_ =	shalt  }
0x74: {  	_ =	shalt  }
0x75: {  	_ =	shalt  }
0x76: {  	_ =	shalt  }
0x77: {  	_ =	shalt  }
0x78: {  	_ =	shalt  }
0x79: {  	_ =	shalt  }
0x7a: {  	_ =	shalt  }
0x7b: {  	_ =	shalt  }
0x7c: {  	_ =	shalt  }
0x7d: {  	_ =	shalt  }
0x7e: {  	_ =	shalt  }
0x7f: {  	_ =	shalt  }
0x80: {  	_ =	shalt  }
0x81: {  	_ =	shalt  }
0x82: {  	_ =	shalt  }
0x83: {  	_ =	shalt  }
0x84: {  	_ =	shalt  }
0x85: {  	_ =	shalt  }
0x86: {  	_ =	shalt  }
0x87: {  	_ =	shalt  }
.Lfunc_end0:
.L_simem_size_0:
called_computation.2_lowered:
.L_overlay_start_0:
0x88: {  	s2 =	sld [smem:$0x3FD9]  }
0x89: {  	s3 =	sld [smem:$0x3FFE];
	_ =	sdelay $0x1  }
0x8a: {  	s1 =	srdreg.scid  }
0x8b: {  	s0 =	sand.u32 $0x1, s1  }
0x8c: {  	s17 =	sshll.u32 s0, $0xA;
	s2 =	sadd.s32 s3, s2  }
0x8d: {  	s2 =	sadd.s32 s2, s17  }
0x8e: {  	[smem:$0x3FBD] =	sst s2  }
0x8f: {  	_ = 	snop  }
0x90: {  	s2 =	sld [smem:$0x3FD0];
	(tm) =	ssettm $0x1  }
0x91: {  	s18 =	sld [smem:$0x3FFB];
	_ =	sdelay $0x3  }
0x92: {  	_ =	strace s18  }
0x93: {  	s3 =	sld [smem:$0x3FFC];
	_ =	sdelay $0x3  }
0x94: {  	_ =	strace s3  }
0x95: {  	s3 =	sld [smem:$0x3FFD];
	_ =	sdelay $0x3  }
0x96: {  	_ =	strace s3  }
0x97: {  	_ =	strace $0x8FFFFFFF  }
0x98: {  	s19 =	sld [smem:$0x3FDB];
	_ =	sdelay $0x1  }
0x99: {  	s4 =	simm.s32 $_scs_section_size  }
0x9a: {  	s5 =	simm.s32 $_size__tile_overlayer_lowered;
	s6 =	simm.s32 $_tile_overlayer_lowered  }
0x9b: {  	s22 =	simm.s32 $0x1BFF;
	s21 =	sshll.u32 s6, $0x1;
	s3 =	sadd.s32 s4, s19  }
0x9c: {  	s7 =	simm.s32 $0x0;
	s20 =	sshll.u32 s5, $0x1;
	s5 =	sadd.s32 s21, s3  }
0x9d: {  	[timem:s7], [sflag:s22] =	dma.local [hbm:s5], s20  }
0x9e: {  	_ =	swait.ge [sflag:s22], s20  }
0x9f: {  	s4 =	ssub.s32 $0x0, s20;
	[sflag:s22] =	ssyncset.done $0x0  }
0xa0: {  	[sflag:s22] =	ssyncadd.s32 s4;
	_ =	sdelay $0x1  }
0xa1: {  	s23 =	simm.s32 $0x1B8B  }
0xa2: {  	_ =	swait.ge [sflag:s23], $0x1  }
0xa3: {  	[sflag:s23] =	ssyncset.done $0x0  }
0xa4: {  	s25 =	simm.s32 $0x1B8E;
	s24 =	sld [smem:$0x3FFE];
	[sflag:s23] =	ssyncadd.s32 $0xFFFFFFFF  }
0xa5: {  	s26 =	simm.s32 $execute0_lowered;
	[smem:$0x3FD2] =	sst s25  }
0xa6: {  	s5 =	sshll.u32 s26, $0x1;
	_ =	strace $0x8000004C;
	[dreg:$0x1] =	wrdreg $0xFFFFFFFF  }
0xa7: {  	s28 =	simm.s32 $_size_execute0_lowered;
	s3 =	sadd.s32 s3, s5;
	[dreg:$0x0] =	wrdreg $0x0  }
0xa8: {  	s5 =	sshll.u32 s28, $0x1;
	[dreg:$0x2] =	wrdreg s3  }
0xa9: {  	[dreg:$0x3] =	wrdreg s5  }
0xaa: {  	[dreg:$0x4] =	wrdreg $0xC0  }
0xab: {  	_ =	task [dreg:s7], $0x5FFFF  }
0xac: {  	[dreg:$0x1] =	wrdreg $0xFFFFFFFF  }
0xad: {  	[dreg:$0x0] =	wrdreg $0x60  }
0xae: {  	[dreg:$0x2] =	wrdreg s2  }
0xaf: {  	[dreg:$0x3] =	wrdreg s24  }
0xb0: {  	[dreg:$0x4] =	wrdreg $0x70000  }
0xb1: {  	[dreg:$0x5] =	wrdreg $0x9  }
0xb2: {  	_ =	task.clear_ibuf [dreg:s7], $0x6FFFF;
	_ =	strace $0x9000004C  }
0xb3: {  	s29 =	simm.s32 $0x9;
	_ =	strace $0x8000004E  }
0xb4: {  	_ =	swait.ge [sflag:s29], $0x1  }
0xb5: {  	[sflag:s29] =	ssyncadd.s32 $0xFFFFFFFF  }
0xb6: {  	_ =	strace $0x9000004E  }
0xb7: {  	_ =	sfence  }
0xb8: {  	s30 =	sld [smem:$0x0];
	_ =	sdelay $0x2  }
0xb9: {  	s31 =	sshll.u32 s1, $0xD;
	s1 =	sshrl.u32 s1, $0x2  }
0xba: {  	s3 =	sand.u32 $0x4000, s31;
	s1 =	sadd.s32 s1, s30  }
0xbb: {  	s0 =	sor.u32 s3, s0;
	s1 =	sshll.u32 s1, $0x11  }
0xbc: {  	s0 =	sor.u32 s1, s0  }
0xbd: {  	s0 =	sadd.s32 $0x8F2B, s0  }
0xbe: {  	[sflag:s0] =	ssyncadd.remote.s32 $0x1  }
0xbf: {  	_ =	sfence.sel $0xFFFF  }
0xc0: {  	[dreg:$0x0] =	wrdreg $0xFFFFFFFF;
	(pc) =	sbr.abs _section_cstart, $3  }
0xc1: {  	[dreg:$0x1] =	wrdreg $0xFFFFFFFF  }
0xc2: {  	_ =	task.clear_ibuf [dreg:s7], $0x2FFFF;
	_ =	strace $0x9FFFFFFF  }
0xc3: {  	(tm) =	ssettm $0x7FFFFFFF  }
tec
execute0_lowered:
.L_overlay_start_1:
0x0: {  	(tag) =	ssettag $0x1  }
0x1: {  	s2 =	rddreg [dreg:$0x0]  }
0x2: {  	s7 =	rddreg [dreg:$0x1]  }
0x3: {  	s3 =	rddreg [dreg:$0x2]  }
0x4: {  	s0 =	rddreg [dreg:$0x3];
	s1 =	stileid.u32  }
0x5: {  	s5 =	srdreg.scid;
	s4 =	simm.s32 $0x0;
	s15 =	simm.s32 $0x50  }
0x6: {  	s16 =	simm.s32 $0x2000;
	s17 =	simm.s32 $0x4800;
	s18 =	simm.s32 $0x1  }
0x7: {  	s19 =	simm.s32 $0x1C00;
	s8 =	smul.u32 $0x14000, s1;
	s9 =	sand.u32 $0x1, s5  }
0x8: {  	[smem:$0x7FF] =	sst s4;
	s5 =	sadd.s32 $0x8F000, s7;
	s6 =	sadd.s32 $0x3000, s7  }
0x9: {  	s12 =	smul.u32 $0x50000, s1;
	s29 =	sshll.u32 s1, $0x1;
	s31 =	sshll.u32 s1, $0x6  }
0xa: {  	s10 =	smul.u32 $0x140000, s9;
	_ =	strace $0x8000004D;
	s26 =	ssub.s32 $0x2, s9  }
0xb: {  	s9 =	sor.u32 s9, s29;
	s11 =	sshrl.u32 s8, $0x3;
	s28 =	sshrl.u32 s26, $0x1  }
0xc: {  	s30 =	sshrl.u32 s12, $0x2;
	s9 =	smul.u32 $0x5000, s9;
	s8 =	sadd.s32 s8, s10  }
0xd: {  	s11 =	sadd.s32 s11, s7;
	s12 =	sadd.s32 s30, s3;
	s8 =	sshrl.u32 s8, $0x3  }
0xe: {  	s14 =	ssub.s32 s26, s28;
	s12 =	sshrl.u32 s12, $0x3;
	s13 =	sadd.s32 s8, s7  }
0xf: {  	s7 =	sadd.s32 $0x17000, s11;
	s8 =	sor.u32 $0x1C02, s31;
	s11 =	smax.u32 s14, $0x1  }
0x10: {  	s14 =	simm.s32 $0x1000;
	s10 =	sadd.s32 $0xA3000, s13;
	s13 =	simm.s32 $0x2  }
.LBB2_1:
0x11: {  	[spmem:s12], [sflag:s8] =	dma.local [hbm:s7], $0x2800  }
0x12: {  	_ =	swait.ge [sflag:s13], $0x2800  }
0x13: {  	[sflag:s13] =	ssyncset.done $0x0  }
0x14: {  	[sflag:s13] =	ssyncadd.s32 $0xFFFFD800  }
0x15: {  	s20 =	simm.s32 $0x0;
	[bflag:$0x0] =	sbarrier.arrive $0xFFFF  }
.LBB2_2:
0x16: {  	s21 =	sshll.u32 s20, $0xC  }
0x17: {  	s21 =	sadd.s32 s9, s21  }
0x18: {  	s21 =	sshrl.u32 s21, $0x3  }
0x19: {  	s23 =	simm.s32 $0x0;
	s22 =	sadd.s32 s5, s21  }
0x1a: {  	[tilespmem:s23], [sflag:$0x2] =	stream.linear.gather [hbm4b:s22+s23], $0xC80, $0x38;
	[tilespmem:$0x1B000] =	vst v63  }
0x1b: {  	_ =	swait.ge [sflag:s13], $0xC80  }
0x1c: {  	[sflag:s13] =	ssyncset.done $0x0  }
0x1d: {  	s21 =	sadd.s32 s6, s21;
	[sflag:s13] =	ssyncadd.s32 $0xFFFFF380  }
0x1e: {  	[tilespmem:s14], [sflag:$0x2] =	stream.linear.gather [hbm4b:s21+s23], $0xC80, $0x38;
	[tilespmem:$0x1B000] =	vst v63  }
0x1f: {  	_ =	swait.ge [sflag:s13], $0xC80  }
0x20: {  	[sflag:s13] =	ssyncset.done $0x0  }
0x21: {  	[sflag:s13] =	ssyncadd.s32 $0xFFFFF380  }
0x22: {  	[tilespmem:s16], [sflag:$0x1] =	stream.indirect.gather [hbm4b:s2+s15], $0x80, s23, s15, $0xb8;
	[tilespmem:$0x1B000] =	vst v63  }
0x23: {  	s28 =	simm.s32 $0x80  }
0x24: {  	[tilespmem:s17], [sflag:$0x1] =	stream.indirect.gather [hbm4b:s2+s15], $0x80, s28, s15, $0xb8;
	[tilespmem:$0x1B000] =	vst v63  }
0x25: {  	_ =	swait.ge [sflag:s18], $0x2800  }
0x26: {  	[sflag:s18] =	ssyncset.done $0x0  }
0x27: {  	s29 =	simm.s32 $0x1000;
	[sflag:s18] =	ssyncadd.s32 $0xFFFFD800  }
0x28: {  	[spmem:s3] =	stream.indirect.scatter.add.f32 [tilespmem:s16], [sflag:$0x2], $0x80, s29, s15, $0xb8;
	[tilespmem:$0x1B000] =	vst v63  }
0x29: {  	_ =	swait.ge [sflag:s13], $0x2800  }
0x2a: {  	[sflag:s13] =	ssyncset.done $0x0  }
0x2b: {  	s30 =	simm.s32 $0x100;
	[sflag:s13] =	ssyncadd.s32 $0xFFFFD800  }
0x2c: {  	[tilespmem:s16], [sflag:$0x1] =	stream.indirect.gather [hbm4b:s2+s15], $0x80, s30, s15, $0xb8;
	[tilespmem:$0x1B000] =	vst v63  }
0x2d: {  	_ =	swait.ge [sflag:s18], $0x2800  }
0x2e: {  	[sflag:s18] =	ssyncset.done $0x0  }
0x2f: {  	s31 =	simm.s32 $0x1080;
	[sflag:s18] =	ssyncadd.s32 $0xFFFFD800  }
0x30: {  	[spmem:s3] =	stream.indirect.scatter.add.f32 [tilespmem:s17], [sflag:$0x2], $0x80, s31, s15, $0xb8;
	[tilespmem:$0x1B000] =	vst v63  }
0x31: {  	_ =	swait.ge [sflag:s13], $0x2800  }
0x32: {  	s22 =	simm.s32 $0x800;
	s21 =	simm.s32 $0x100;
	[sflag:s13] =	ssyncset.done $0x0  }
.LBB2_3:
0x33: {  	s23 =	sadd.s32 $0x80, s21  }
0x34: {  	[sflag:s13] =	ssyncadd.s32 $0xFFFFD800;
	s24 =	smov.u32 s22;
	s25 =	sadd.s32 $0x400, s22  }
0x35: {  	[tilespmem:s17], [sflag:$0x1] =	stream.indirect.gather [hbm4b:s2+s15], $0x80, s23, s15, $0xb8;
	[tilespmem:$0x1B000] =	vst v63  }
0x36: {  	p0 =	sne.s32 s22, $0x2C00;
	_ =	swait.ge [sflag:s18], $0x2800  }
0x37: {  	[sflag:s18] =	ssyncset.done $0x0  }
0x38: {  	s22 =	sadd.s32 $0x1000, s21;
	[sflag:s18] =	ssyncadd.s32 $0xFFFFD800  }
0x39: {  	[spmem:s3] =	stream.indirect.scatter.add.f32 [tilespmem:s16], [sflag:$0x2], $0x80, s22, s15, $0xb8;
	[tilespmem:$0x1B000] =	vst v63  }
0x3a: {  	_ =	swait.ge [sflag:s13], $0x2800  }
0x3b: {  	[sflag:s13] =	ssyncset.done $0x0  }
0x3c: {  	s22 =	sadd.s32 $0x100, s21;
	[sflag:s13] =	ssyncadd.s32 $0xFFFFD800  }
0x3d: {  	[tilespmem:s16], [sflag:$0x1] =	stream.indirect.gather [hbm4b:s2+s15], $0x80, s22, s15, $0xb8;
	[tilespmem:$0x1B000] =	vst v63  }
0x3e: {  	_ =	swait.ge [sflag:s18], $0x2800  }
.Ltmp0:
0x3f: {  	[sflag:s18] =	ssyncset.done $0x0;
	(pc) =	sbr.rel @p0 .LBB2_3-.Ltmp0, $4  }
0x40: {  	s21 =	sadd.s32 $0x1080, s21;
	[sflag:s18] =	ssyncadd.s32 $0xFFFFD800  }
0x41: {  	[spmem:s3] =	stream.indirect.scatter.add.f32 [tilespmem:s17], [sflag:$0x2], $0x80, s21, s15, $0xb8;
	[tilespmem:$0x1B000] =	vst v63  }
0x42: {  	_ =	swait.ge [sflag:s13], $0x2800  }
0x43: {  	s22 =	smov.u32 s25;
	s21 =	sshra.s32 s24, $0x2;
	[sflag:s13] =	ssyncset.done $0x0  }
0x44: {  	s22 =	sadd.s32 $0x80, s21;
	[sflag:s13] =	ssyncadd.s32 $0xFFFFD800  }
0x45: {  	[tilespmem:s17], [sflag:$0x1] =	stream.indirect.gather [hbm4b:s2+s15], $0x80, s22, s15, $0xb8;
	[tilespmem:$0x1B000] =	vst v63  }
0x46: {  	_ =	swait.ge [sflag:s18], $0x2800  }
0x47: {  	[sflag:s18] =	ssyncset.done $0x0  }
0x48: {  	s29 =	sadd.s32 $0x1000, s21;
	[sflag:s18] =	ssyncadd.s32 $0xFFFFD800  }
0x49: {  	[spmem:s3] =	stream.indirect.scatter.add.f32 [tilespmem:s16], [sflag:$0x2], $0x80, s29, s15, $0xb8;
	[tilespmem:$0x1B000] =	vst v63  }
0x4a: {  	_ =	swait.ge [sflag:s13], $0x2800  }
0x4b: {  	[sflag:s13] =	ssyncset.done $0x0  }
0x4c: {  	s30 =	sadd.s32 $0x100, s21;
	[sflag:s13] =	ssyncadd.s32 $0xFFFFD800  }
0x4d: {  	[tilespmem:s16], [sflag:$0x1] =	stream.indirect.gather [hbm4b:s2+s15], $0x80, s30, s15, $0xb8;
	[tilespmem:$0x1B000] =	vst v63  }
0x4e: {  	_ =	swait.ge [sflag:s18], $0x2800  }
0x4f: {  	[sflag:s18] =	ssyncset.done $0x0  }
0x50: {  	s31 =	sadd.s32 $0x1080, s21;
	[sflag:s18] =	ssyncadd.s32 $0xFFFFD800  }
0x51: {  	[spmem:s3] =	stream.indirect.scatter.add.f32 [tilespmem:s17], [sflag:$0x2], $0x80, s31, s15, $0xb8;
	[tilespmem:$0x1B000] =	vst v63  }
0x52: {  	_ =	swait.ge [sflag:s13], $0x2800  }
0x53: {  	[sflag:s13] =	ssyncset.done $0x0  }
0x54: {  	[sflag:s13] =	ssyncadd.s32 $0xFFFFD800  }
0x55: {  	s20 =	sadd.s32 $0x1, s20;
	_ =	swait.ge [sflag:s18], $0x2800  }
0x56: {  	p0 =	sne.s32 s20, $0x5;
	[sflag:s18] =	ssyncset.done $0x0  }
.Ltmp1:
0x57: {  	[sflag:s18] =	ssyncadd.s32 $0xFFFFD800;
	(pc) =	sbr.rel @p0 .LBB2_2-.Ltmp1, $4  }
0x58: {  	[spmem:s3] =	stream.indirect.scatter.add.f32 [tilespmem:s16], [sflag:$0x2], $0x80, s19, s15, $0xb8;
	[tilespmem:$0x1B000] =	vst v63  }
0x59: {  	_ =	swait.ge [sflag:s13], $0x2800  }
0x5a: {  	[sflag:s13] =	ssyncset.done $0x0  }
0x5b: {  	[sflag:s13] =	ssyncadd.s32 $0xFFFFD800  }
0x5c: {  	s4 =	sadd.s32 $0x1, s4  }
0x5d: {  	p0 =	sne.s32 s4, s11  }
.Ltmp2:
0x5e: {  	[bflag:$0x0] =	sbarrier.arrive $0xFFFF;
	(pc) =	sbr.rel @p0 .LBB2_1-.Ltmp2, $4  }
0x5f: {  	[hbm:s10], [sflag:s8] =	dma.local [spmem:s12], $0x2800  }
0x60: {  	_ =	swait.ge [sflag:s13], $0x2800  }
0x61: {  	[sflag:s13] =	ssyncset.done $0x0  }
0x62: {  	[sflag:s13] =	ssyncadd.s32 $0xFFFFD800  }
0x63: {  	_ =	sfence.sel $0x180000  }
0x64: {  	[bflag:$0x0] =	sbarrier.arrive $0xFFFF  }
0x65: {  	p0 =	sne.s32 s1, $0x0;
	_ =	strace $0x9000004D  }
0x66: {  	s0 =	sadd.s32 @!p0 $0x100000, s0;
	[bflag:$0x2] =	sbarrier.arrive $0xFFFF  }
0x67: {  	[sflag:s0] =	ssyncadd.tile.s32 @!p0 $0x1;
	_ =	shalt  }
.Lfunc_end2:
_tile_overlayer_lowered:
.L_overlay_start_2:
0x68: {  	(tag) =	ssettag $0x2  }
0x69: {  	s0 =	rddreg [dreg:$0x0];
	s2 =	stileid.u32  }
0x6a: {  	s1 =	rddreg [dreg:$0x1];
	p0 =	sne.s32 s2, $0x0  }
0x6b: {  	s3 =	rddreg [dreg:$0x2];
	[bflag:$0x3] =	sbarrier.arrive $0xFFFF;
	s2 =	simm.s32 @!p0 $0x1C02  }
0x6c: {  	[timem:s3], [sflag:s2] =	dma.local @!p0 [hbm:s0], s1  }
0x6d: {  	s0 =	simm.s32 @!p0 $0x2  }
0x6e: {  	_ =	swait.ge @!p0 [sflag:s0], s1  }
0x6f: {  	s1 =	ssub.s32 @!p0 $0x0, s1;
	[sflag:s0] =	ssyncset.done @!p0 $0x0  }
0x70: {  	[sflag:s0] =	ssyncadd.s32 @!p0 s1  }
0x71: {  	[bflag:$0x3] =	sbarrier.arrive $0xFFFF  }
0x72: {  	_ =	shalt  }

// kernel: kernel.18.cloned.1.call-start
scs
__scs_entry_jumppad:
0x0: {  	(pc) =	sbr.rel $0x88, $3  }
0x1: {  	(tag) =	ssettag $0x0;
	lr =	simm.s32 $0x1  }
0x2: {  	[smem:$0x3F96] =	sst lr;
	_ =	strace $0xD0000000  }
0x3: {  	_ = 	snop  }
0x4: {  	_ = 	snop  }
0x5: {  	_ = 	snop  }
0x6: {  	_ = 	snop  }
0x7: {  	_ = 	snop  }
__scs_overlays_trampoline_lowered:
0x8: {  	[smem:$0x3FA5] =	sst s0  }
0x9: {  	[smem:$0x3FA6] =	sst s1  }
0xa: {  	[smem:$0x3FA7] =	sst s2  }
0xb: {  	[smem:$0x3FA8] =	sst s3  }
0xc: {  	[smem:$0x3FA9] =	sst s4  }
0xd: {  	[smem:$0x3FAA] =	sst s5  }
0xe: {  	[smem:$0x3FAB] =	sst s6  }
0xf: {  	[smem:$0x3FAC] =	sst s7  }
0x10: {  	[smem:$0x3FAD] =	sst s8  }
0x11: {  	[smem:$0x3FAE] =	sst s9;
	s0 =	simm.s32 @!p0 $0x0  }
0x12: {  	s1 =	sld [smem:$0x3F94];
	s0 =	simm.s32 @p0 $0x1  }
0x13: {  	[smem:$0x3FAF] =	sst s0;
	s0 =	simm.s32 @!p1 $0x0  }
0x14: {  	s2 =	sld [smem:$0x3F93];
	s0 =	simm.s32 @p1 $0x1  }
0x15: {  	[smem:$0x3FB0] =	sst s0;
	s0 =	simm.s32 @!p2 $0x0  }
0x16: {  	s3 =	sld [smem:$0x3FDB];
	s0 =	simm.s32 @p2 $0x1  }
0x17: {  	s4 =	simm.s32 $0x1BF5;
	[smem:$0x3FB2] =	sst s0  }
0x18: {  	s0 =	sld [smem:$0x3F95];
	_ =	swait.ge [sflag:s4], $0x0  }
0x19: {  	s7 =	sld [smem:$0x3F96]  }
0x1a: {  	s8 =	sadd.s32 $0xFFFFE003, lr  }
0x1b: {  	s9 =	sadd.s32 $0xFFFFFEF7, lr;
	s5 =	simm.s32 $0xFFFFFFFF;
	p2 =	slt.u32 s8, $0xFFFFF086  }
0x1c: {  	p1 =	slt.u32 s9, $0xF7A;
	s5 =	simm.s32 @!p2 $0x0  }
0x1d: {  	s5 =	simm.s32 @p1 $0x1;
	p0 =	seq.s32 s7, s2  }
0x1e: {  	s7 =	smul.u32 @!p0 $0xF7A, s2;
	p2 =	seq.s32 @!p0 s5, $0x0  }
0x1f: {  	s9 =	smul.u32 $0xF7A, s1;
	s8 =	simm.s32 @!p0 $0x1BF5;
	p2 =	por !p2, p0  }
0x20: {  	[sflag:s8] =	ssyncset.s32 @!p0 $0xFFFFF086;
	s6 =	sadd.s32 @!p0 s3, s7;
	s7 =	simm.s32 @!p0 $0x108  }
0x21: {  	s3 =	sadd.s32 s3, s9;
	s6 =	sadd.s32 @!p0 $0x88, s6;
	s7 =	simm.s32 @p2 $0x1082  }
0x22: {  	[simem:s7], [sflag:s8] =	dma.local @!p0 [hbm:s6], $0xF7A  }
0x23: {  	s9 =	sor.u32 $0xD0000000, s2;
	s6 =	simm.s32 $0x108;
	_ =	swait.ge @!p0 [sflag:s8], $0x0  }
0x24: {  	s3 =	sadd.s32 $0x88, s3;
	s6 =	simm.s32 @!p1 $0x1082;
	[sflag:s4] =	ssyncset.s32 $0xFFFFF086  }
0x25: {  	[simem:s6], [sflag:s4] =	dma.local [hbm:s3], $0xF7A  }
0x26: {  	[smem:$0x3F96] =	sst s1;
	(tag) =	ssettag s2;
	_ =	strace s9  }
0x27: {  	s1 =	sld [smem:$0x3FA6]  }
0x28: {  	s2 =	sld [smem:$0x3FA7]  }
0x29: {  	s4 =	sld [smem:$0x3FA9]  }
0x2a: {  	p0 =	seq.s32 s5, $0x0;
	s5 =	sld [smem:$0x3FAA]  }
0x2b: {  	s6 =	sld [smem:$0x3FAB]  }
0x2c: {  	s7 =	sld [smem:$0x3FAC]  }
0x2d: {  	s3 =	simm.s32 $0x108;
	s8 =	sld [smem:$0x3FAD]  }
0x2e: {  	s3 =	simm.s32 @!p0 $0x1082;
	s9 =	sld [smem:$0x3FAE]  }
0x2f: {  	lr =	sadd.s32 s0, s3;
	s0 =	sld [smem:$0x3FA5]  }
0x30: {  	s3 =	sld [smem:$0x3FA8]  }
0x31: {  	[smem:$0x3FB1] =	sst s10  }
0x32: {  	s10 =	sld [smem:$0x3FAF];
	_ =	sdelay $0x3  }
0x33: {  	p0 =	seq.s32 s10, $0x1;
	s10 =	sld [smem:$0x3FB1];
	_ =	sdelay $0x3  }
0x34: {  	[smem:$0x3FB1] =	sst s10  }
0x35: {  	s10 =	sld [smem:$0x3FB0];
	_ =	sdelay $0x3  }
0x36: {  	p1 =	seq.s32 s10, $0x1;
	s10 =	sld [smem:$0x3FB1];
	_ =	sdelay $0x3  }
0x37: {  	[smem:$0x3FB1] =	sst s10  }
0x38: {  	s10 =	sld [smem:$0x3FB2]  }
0x39: {  	_ = 	snop;
	(pc) =	sbr.ind lr, $3  }
0x3a: {  	_ = 	snop  }
0x3b: {  	_ = 	snop  }
0x3c: {  	p2 =	seq.s32 s10, $0x1;
	s10 =	sld [smem:$0x3FB1]  }
0x3d: {  	_ =	shalt  }
0x3e: {  	_ =	shalt  }
0x3f: {  	_ =	shalt  }
0x40: {  	_ =	shalt  }
0x41: {  	_ =	shalt  }
0x42: {  	_ =	shalt  }
0x43: {  	_ =	shalt  }
0x44: {  	_ =	shalt  }
0x45: {  	_ =	shalt  }
0x46: {  	_ =	shalt  }
0x47: {  	_ =	shalt  }
0x48: {  	_ =	shalt  }
0x49: {  	_ =	shalt  }
0x4a: {  	_ =	shalt  }
0x4b: {  	_ =	shalt  }
0x4c: {  	_ =	shalt  }
0x4d: {  	_ =	shalt  }
0x4e: {  	_ =	shalt  }
0x4f: {  	_ =	shalt  }
0x50: {  	_ =	shalt  }
0x51: {  	_ =	shalt  }
0x52: {  	_ =	shalt  }
0x53: {  	_ =	shalt  }
0x54: {  	_ =	shalt  }
0x55: {  	_ =	shalt  }
0x56: {  	_ =	shalt  }
0x57: {  	_ =	shalt  }
0x58: {  	_ =	shalt  }
0x59: {  	_ =	shalt  }
0x5a: {  	_ =	shalt  }
0x5b: {  	_ =	shalt  }
0x5c: {  	_ =	shalt  }
0x5d: {  	_ =	shalt  }
0x5e: {  	_ =	shalt  }
0x5f: {  	_ =	shalt  }
0x60: {  	_ =	shalt  }
0x61: {  	_ =	shalt  }
0x62: {  	_ =	shalt  }
0x63: {  	_ =	shalt  }
0x64: {  	_ =	shalt  }
0x65: {  	_ =	shalt  }
0x66: {  	_ =	shalt  }
0x67: {  	_ =	shalt  }
0x68: {  	_ =	shalt  }
0x69: {  	_ =	shalt  }
0x6a: {  	_ =	shalt  }
0x6b: {  	_ =	shalt  }
0x6c: {  	_ =	shalt  }
0x6d: {  	_ =	shalt  }
0x6e: {  	_ =	shalt  }
0x6f: {  	_ =	shalt  }
0x70: {  	_ =	shalt  }
0x71: {  	_ =	shalt  }
0x72: {  	_ =	shalt  }
0x73: {  	_ =	shalt  }
0x74: {  	_ =	shalt  }
0x75: {  	_ =	shalt  }
0x76: {  	_ =	shalt  }
0x77: {  	_ =	shalt  }
0x78: {  	_ =	shalt  }
0x79: {  	_ =	shalt  }
0x7a: {  	_ =	shalt  }
0x7b: {  	_ =	shalt  }
0x7c: {  	_ =	shalt  }
0x7d: {  	_ =	shalt  }
0x7e: {  	_ =	shalt  }
0x7f: {  	_ =	shalt  }
0x80: {  	_ =	shalt  }
0x81: {  	_ =	shalt  }
0x82: {  	_ =	shalt  }
0x83: {  	_ =	shalt  }
0x84: {  	_ =	shalt  }
0x85: {  	_ =	shalt  }
0x86: {  	_ =	shalt  }
0x87: {  	_ =	shalt  }
.Lfunc_end0:
.L_simem_size_0:
called_computation.3_lowered:
.L_overlay_start_0:
0x88: {  	s2 =	sld [smem:$0x3FD9]  }
0x89: {  	s3 =	sld [smem:$0x3FFE];
	_ =	sdelay $0x1  }
0x8a: {  	s1 =	srdreg.scid  }
0x8b: {  	s0 =	sand.u32 $0x1, s1  }
0x8c: {  	s17 =	sshll.u32 s0, $0xA;
	s2 =	sadd.s32 s3, s2  }
0x8d: {  	s2 =	sadd.s32 s2, s17  }
0x8e: {  	[smem:$0x3FBD] =	sst s2  }
0x8f: {  	_ = 	snop  }
0x90: {  	s2 =	sld [smem:$0x3FD0];
	(tm) =	ssettm $0x1  }
0x91: {  	s18 =	sld [smem:$0x3FFB];
	_ =	sdelay $0x3  }
0x92: {  	_ =	strace s18  }
0x93: {  	s3 =	sld [smem:$0x3FFC];
	_ =	sdelay $0x3  }
0x94: {  	_ =	strace s3  }
0x95: {  	s3 =	sld [smem:$0x3FFD];
	_ =	sdelay $0x3  }
0x96: {  	_ =	strace s3  }
0x97: {  	_ =	strace $0x8FFFFFFF  }
0x98: {  	s19 =	sld [smem:$0x3FDB];
	_ =	sdelay $0x1  }
0x99: {  	s4 =	simm.s32 $_scs_section_size  }
0x9a: {  	s5 =	simm.s32 $_size__tile_overlayer_lowered;
	s6 =	simm.s32 $_tile_overlayer_lowered  }
0x9b: {  	s22 =	simm.s32 $0x1BFF;
	s21 =	sshll.u32 s6, $0x1;
	s3 =	sadd.s32 s4, s19  }
0x9c: {  	s7 =	simm.s32 $0x0;
	s20 =	sshll.u32 s5, $0x1;
	s5 =	sadd.s32 s21, s3  }
0x9d: {  	[timem:s7], [sflag:s22] =	dma.local [hbm:s5], s20  }
0x9e: {  	_ =	swait.ge [sflag:s22], s20  }
0x9f: {  	s4 =	ssub.s32 $0x0, s20;
	[sflag:s22] =	ssyncset.done $0x0  }
0xa0: {  	[sflag:s22] =	ssyncadd.s32 s4;
	_ =	sdelay $0x1  }
0xa1: {  	s23 =	simm.s32 $0x1B8B  }
0xa2: {  	_ =	swait.ge [sflag:s23], $0x1  }
0xa3: {  	[sflag:s23] =	ssyncset.done $0x0  }
0xa4: {  	s25 =	simm.s32 $0x1B8E;
	s24 =	sld [smem:$0x3FFE];
	[sflag:s23] =	ssyncadd.s32 $0xFFFFFFFF  }
0xa5: {  	s26 =	simm.s32 $execute0_lowered;
	[smem:$0x3FD2] =	sst s25  }
0xa6: {  	s5 =	sshll.u32 s26, $0x1;
	_ =	strace $0x8000004F;
	[dreg:$0x1] =	wrdreg $0xFFFFFFFF  }
0xa7: {  	s28 =	simm.s32 $_size_execute0_lowered;
	s3 =	sadd.s32 s3, s5;
	[dreg:$0x0] =	wrdreg $0x0  }
0xa8: {  	s5 =	sshll.u32 s28, $0x1;
	[dreg:$0x2] =	wrdreg s3  }
0xa9: {  	[dreg:$0x3] =	wrdreg s5  }
0xaa: {  	[dreg:$0x4] =	wrdreg $0xC0  }
0xab: {  	_ =	task [dreg:s7], $0x5FFFF  }
0xac: {  	[dreg:$0x1] =	wrdreg $0xFFFFFFFF  }
0xad: {  	[dreg:$0x0] =	wrdreg $0x60  }
0xae: {  	[dreg:$0x2] =	wrdreg s2  }
0xaf: {  	[dreg:$0x3] =	wrdreg s24  }
0xb0: {  	[dreg:$0x4] =	wrdreg $0x70000  }
0xb1: {  	[dreg:$0x5] =	wrdreg $0x9  }
0xb2: {  	_ =	task.clear_ibuf [dreg:s7], $0x6FFFF;
	_ =	strace $0x9000004F  }
0xb3: {  	s29 =	simm.s32 $0x9;
	_ =	strace $0x80000051  }
0xb4: {  	_ =	swait.ge [sflag:s29], $0x1  }
0xb5: {  	[sflag:s29] =	ssyncadd.s32 $0xFFFFFFFF  }
0xb6: {  	_ =	strace $0x90000051  }
0xb7: {  	_ =	sfence  }
0xb8: {  	s30 =	sld [smem:$0x0];
	_ =	sdelay $0x2  }
0xb9: {  	s31 =	sshll.u32 s1, $0xD;
	s1 =	sshrl.u32 s1, $0x2  }
0xba: {  	s3 =	sand.u32 $0x4000, s31;
	s1 =	sadd.s32 s1, s30  }
0xbb: {  	s0 =	sor.u32 s3, s0;
	s1 =	sshll.u32 s1, $0x11  }
0xbc: {  	s0 =	sor.u32 s1, s0  }
0xbd: {  	s0 =	sadd.s32 $0x8F2B, s0  }
0xbe: {  	[sflag:s0] =	ssyncadd.remote.s32 $0x1  }
0xbf: {  	_ =	sfence.sel $0xFFFF  }
0xc0: {  	[dreg:$0x0] =	wrdreg $0xFFFFFFFF;
	(pc) =	sbr.abs _section_cstart, $3  }
0xc1: {  	[dreg:$0x1] =	wrdreg $0xFFFFFFFF  }
0xc2: {  	_ =	task.clear_ibuf [dreg:s7], $0x2FFFF;
	_ =	strace $0x9FFFFFFF  }
0xc3: {  	(tm) =	ssettm $0x7FFFFFFF  }
tec
execute0_lowered:
.L_overlay_start_1:
0x0: {  	(tag) =	ssettag $0x1  }
0x1: {  	s2 =	rddreg [dreg:$0x0]  }
0x2: {  	s7 =	rddreg [dreg:$0x1]  }
0x3: {  	s3 =	rddreg [dreg:$0x2]  }
0x4: {  	s0 =	rddreg [dreg:$0x3];
	s1 =	stileid.u32  }
0x5: {  	s5 =	srdreg.scid;
	s4 =	simm.s32 $0x0;
	s15 =	simm.s32 $0x50  }
0x6: {  	s16 =	simm.s32 $0x2000;
	s17 =	simm.s32 $0x4800;
	s18 =	simm.s32 $0x1  }
0x7: {  	s19 =	simm.s32 $0x1C00;
	s8 =	smul.u32 $0x14000, s1;
	s9 =	sand.u32 $0x1, s5  }
0x8: {  	[smem:$0x7FF] =	sst s4;
	s5 =	sadd.s32 $0x8F000, s7;
	s6 =	sadd.s32 $0x3000, s7  }
0x9: {  	s12 =	smul.u32 $0x50000, s1;
	s29 =	sshll.u32 s1, $0x1;
	s31 =	sshll.u32 s1, $0x6  }
0xa: {  	s10 =	smul.u32 $0x140000, s9;
	_ =	strace $0x80000050;
	s26 =	ssub.s32 $0x2, s9  }
0xb: {  	s9 =	sor.u32 s9, s29;
	s11 =	sshrl.u32 s8, $0x3;
	s28 =	sshrl.u32 s26, $0x1  }
0xc: {  	s30 =	sshrl.u32 s12, $0x2;
	s9 =	smul.u32 $0x5000, s9;
	s8 =	sadd.s32 s8, s10  }
0xd: {  	s11 =	sadd.s32 s11, s7;
	s12 =	sadd.s32 s30, s3;
	s8 =	sshrl.u32 s8, $0x3  }
0xe: {  	s14 =	ssub.s32 s26, s28;
	s12 =	sshrl.u32 s12, $0x3;
	s13 =	sadd.s32 s8, s7  }
0xf: {  	s7 =	sadd.s32 $0x17000, s11;
	s8 =	sor.u32 $0x1C02, s31;
	s11 =	smax.u32 s14, $0x1  }
0x10: {  	s14 =	simm.s32 $0x1000;
	s10 =	sadd.s32 $0xA3000, s13;
	s13 =	simm.s32 $0x2  }
.LBB2_1:
0x11: {  	[spmem:s12], [sflag:s8] =	dma.local [hbm:s7], $0x2800  }
0x12: {  	_ =	swait.ge [sflag:s13], $0x2800  }
0x13: {  	[sflag:s13] =	ssyncset.done $0x0  }
0x14: {  	[sflag:s13] =	ssyncadd.s32 $0xFFFFD800  }
0x15: {  	s20 =	simm.s32 $0x0;
	[bflag:$0x0] =	sbarrier.arrive $0xFFFF  }
.LBB2_2:
0x16: {  	s21 =	sshll.u32 s20, $0xC  }
0x17: {  	s21 =	sadd.s32 s9, s21  }
0x18: {  	s21 =	sshrl.u32 s21, $0x3  }
0x19: {  	s23 =	simm.s32 $0x0;
	s22 =	sadd.s32 s5, s21  }
0x1a: {  	[tilespmem:s23], [sflag:$0x2] =	stream.linear.gather [hbm4b:s22+s23], $0xC80, $0x38;
	[tilespmem:$0x1B000] =	vst v63  }
0x1b: {  	_ =	swait.ge [sflag:s13], $0xC80  }
0x1c: {  	[sflag:s13] =	ssyncset.done $0x0  }
0x1d: {  	s21 =	sadd.s32 s6, s21;
	[sflag:s13] =	ssyncadd.s32 $0xFFFFF380  }
0x1e: {  	[tilespmem:s14], [sflag:$0x2] =	stream.linear.gather [hbm4b:s21+s23], $0xC80, $0x38;
	[tilespmem:$0x1B000] =	vst v63  }
0x1f: {  	_ =	swait.ge [sflag:s13], $0xC80  }
0x20: {  	[sflag:s13] =	ssyncset.done $0x0  }
0x21: {  	[sflag:s13] =	ssyncadd.s32 $0xFFFFF380  }
0x22: {  	[tilespmem:s16], [sflag:$0x1] =	stream.indirect.gather [hbm4b:s2+s15], $0x80, s23, s15, $0xb8;
	[tilespmem:$0x1B000] =	vst v63  }
0x23: {  	s28 =	simm.s32 $0x80  }
0x24: {  	[tilespmem:s17], [sflag:$0x1] =	stream.indirect.gather [hbm4b:s2+s15], $0x80, s28, s15, $0xb8;
	[tilespmem:$0x1B000] =	vst v63  }
0x25: {  	_ =	swait.ge [sflag:s18], $0x2800  }
0x26: {  	[sflag:s18] =	ssyncset.done $0x0  }
0x27: {  	s29 =	simm.s32 $0x1000;
	[sflag:s18] =	ssyncadd.s32 $0xFFFFD800  }
0x28: {  	[spmem:s3] =	stream.indirect.scatter.add.f32 [tilespmem:s16], [sflag:$0x2], $0x80, s29, s15, $0xb8;
	[tilespmem:$0x1B000] =	vst v63  }
0x29: {  	_ =	swait.ge [sflag:s13], $0x2800  }
0x2a: {  	[sflag:s13] =	ssyncset.done $0x0  }
0x2b: {  	s30 =	simm.s32 $0x100;
	[sflag:s13] =	ssyncadd.s32 $0xFFFFD800  }
0x2c: {  	[tilespmem:s16], [sflag:$0x1] =	stream.indirect.gather [hbm4b:s2+s15], $0x80, s30, s15, $0xb8;
	[tilespmem:$0x1B000] =	vst v63  }
0x2d: {  	_ =	swait.ge [sflag:s18], $0x2800  }
0x2e: {  	[sflag:s18] =	ssyncset.done $0x0  }
0x2f: {  	s31 =	simm.s32 $0x1080;
	[sflag:s18] =	ssyncadd.s32 $0xFFFFD800  }
0x30: {  	[spmem:s3] =	stream.indirect.scatter.add.f32 [tilespmem:s17], [sflag:$0x2], $0x80, s31, s15, $0xb8;
	[tilespmem:$0x1B000] =	vst v63  }
0x31: {  	_ =	swait.ge [sflag:s13], $0x2800  }
0x32: {  	s22 =	simm.s32 $0x800;
	s21 =	simm.s32 $0x100;
	[sflag:s13] =	ssyncset.done $0x0  }
.LBB2_3:
0x33: {  	s23 =	sadd.s32 $0x80, s21  }
0x34: {  	[sflag:s13] =	ssyncadd.s32 $0xFFFFD800;
	s24 =	smov.u32 s22;
	s25 =	sadd.s32 $0x400, s22  }
0x35: {  	[tilespmem:s17], [sflag:$0x1] =	stream.indirect.gather [hbm4b:s2+s15], $0x80, s23, s15, $0xb8;
	[tilespmem:$0x1B000] =	vst v63  }
0x36: {  	p0 =	sne.s32 s22, $0x2C00;
	_ =	swait.ge [sflag:s18], $0x2800  }
0x37: {  	[sflag:s18] =	ssyncset.done $0x0  }
0x38: {  	s22 =	sadd.s32 $0x1000, s21;
	[sflag:s18] =	ssyncadd.s32 $0xFFFFD800  }
0x39: {  	[spmem:s3] =	stream.indirect.scatter.add.f32 [tilespmem:s16], [sflag:$0x2], $0x80, s22, s15, $0xb8;
	[tilespmem:$0x1B000] =	vst v63  }
0x3a: {  	_ =	swait.ge [sflag:s13], $0x2800  }
0x3b: {  	[sflag:s13] =	ssyncset.done $0x0  }
0x3c: {  	s22 =	sadd.s32 $0x100, s21;
	[sflag:s13] =	ssyncadd.s32 $0xFFFFD800  }
0x3d: {  	[tilespmem:s16], [sflag:$0x1] =	stream.indirect.gather [hbm4b:s2+s15], $0x80, s22, s15, $0xb8;
	[tilespmem:$0x1B000] =	vst v63  }
0x3e: {  	_ =	swait.ge [sflag:s18], $0x2800  }
.Ltmp0:
0x3f: {  	[sflag:s18] =	ssyncset.done $0x0;
	(pc) =	sbr.rel @p0 .LBB2_3-.Ltmp0, $4  }
0x40: {  	s21 =	sadd.s32 $0x1080, s21;
	[sflag:s18] =	ssyncadd.s32 $0xFFFFD800  }
0x41: {  	[spmem:s3] =	stream.indirect.scatter.add.f32 [tilespmem:s17], [sflag:$0x2], $0x80, s21, s15, $0xb8;
	[tilespmem:$0x1B000] =	vst v63  }
0x42: {  	_ =	swait.ge [sflag:s13], $0x2800  }
0x43: {  	s22 =	smov.u32 s25;
	s21 =	sshra.s32 s24, $0x2;
	[sflag:s13] =	ssyncset.done $0x0  }
0x44: {  	s22 =	sadd.s32 $0x80, s21;
	[sflag:s13] =	ssyncadd.s32 $0xFFFFD800  }
0x45: {  	[tilespmem:s17], [sflag:$0x1] =	stream.indirect.gather [hbm4b:s2+s15], $0x80, s22, s15, $0xb8;
	[tilespmem:$0x1B000] =	vst v63  }
0x46: {  	_ =	swait.ge [sflag:s18], $0x2800  }
0x47: {  	[sflag:s18] =	ssyncset.done $0x0  }
0x48: {  	s29 =	sadd.s32 $0x1000, s21;
	[sflag:s18] =	ssyncadd.s32 $0xFFFFD800  }
0x49: {  	[spmem:s3] =	stream.indirect.scatter.add.f32 [tilespmem:s16], [sflag:$0x2], $0x80, s29, s15, $0xb8;
	[tilespmem:$0x1B000] =	vst v63  }
0x4a: {  	_ =	swait.ge [sflag:s13], $0x2800  }
0x4b: {  	[sflag:s13] =	ssyncset.done $0x0  }
0x4c: {  	s30 =	sadd.s32 $0x100, s21;
	[sflag:s13] =	ssyncadd.s32 $0xFFFFD800  }
0x4d: {  	[tilespmem:s16], [sflag:$0x1] =	stream.indirect.gather [hbm4b:s2+s15], $0x80, s30, s15, $0xb8;
	[tilespmem:$0x1B000] =	vst v63  }
0x4e: {  	_ =	swait.ge [sflag:s18], $0x2800  }
0x4f: {  	[sflag:s18] =	ssyncset.done $0x0  }
0x50: {  	s31 =	sadd.s32 $0x1080, s21;
	[sflag:s18] =	ssyncadd.s32 $0xFFFFD800  }
0x51: {  	[spmem:s3] =	stream.indirect.scatter.add.f32 [tilespmem:s17], [sflag:$0x2], $0x80, s31, s15, $0xb8;
	[tilespmem:$0x1B000] =	vst v63  }
0x52: {  	_ =	swait.ge [sflag:s13], $0x2800  }
0x53: {  	[sflag:s13] =	ssyncset.done $0x0  }
0x54: {  	[sflag:s13] =	ssyncadd.s32 $0xFFFFD800  }
0x55: {  	s20 =	sadd.s32 $0x1, s20;
	_ =	swait.ge [sflag:s18], $0x2800  }
0x56: {  	p0 =	sne.s32 s20, $0x5;
	[sflag:s18] =	ssyncset.done $0x0  }
.Ltmp1:
0x57: {  	[sflag:s18] =	ssyncadd.s32 $0xFFFFD800;
	(pc) =	sbr.rel @p0 .LBB2_2-.Ltmp1, $4  }
0x58: {  	[spmem:s3] =	stream.indirect.scatter.add.f32 [tilespmem:s16], [sflag:$0x2], $0x80, s19, s15, $0xb8;
	[tilespmem:$0x1B000] =	vst v63  }
0x59: {  	_ =	swait.ge [sflag:s13], $0x2800  }
0x5a: {  	[sflag:s13] =	ssyncset.done $0x0  }
0x5b: {  	[sflag:s13] =	ssyncadd.s32 $0xFFFFD800  }
0x5c: {  	s4 =	sadd.s32 $0x1, s4  }
0x5d: {  	p0 =	sne.s32 s4, s11  }
.Ltmp2:
0x5e: {  	[bflag:$0x0] =	sbarrier.arrive $0xFFFF;
	(pc) =	sbr.rel @p0 .LBB2_1-.Ltmp2, $4  }
0x5f: {  	[hbm:s10], [sflag:s8] =	dma.local [spmem:s12], $0x2800  }
0x60: {  	_ =	swait.ge [sflag:s13], $0x2800  }
0x61: {  	[sflag:s13] =	ssyncset.done $0x0  }
0x62: {  	[sflag:s13] =	ssyncadd.s32 $0xFFFFD800  }
0x63: {  	_ =	sfence.sel $0x180000  }
0x64: {  	[bflag:$0x0] =	sbarrier.arrive $0xFFFF  }
0x65: {  	p0 =	sne.s32 s1, $0x0;
	_ =	strace $0x90000050  }
0x66: {  	s0 =	sadd.s32 @!p0 $0x100000, s0;
	[bflag:$0x2] =	sbarrier.arrive $0xFFFF  }
0x67: {  	[sflag:s0] =	ssyncadd.tile.s32 @!p0 $0x1;
	_ =	shalt  }
.Lfunc_end2:
_tile_overlayer_lowered:
.L_overlay_start_2:
0x68: {  	(tag) =	ssettag $0x2  }
0x69: {  	s0 =	rddreg [dreg:$0x0];
	s2 =	stileid.u32  }
0x6a: {  	s1 =	rddreg [dreg:$0x1];
	p0 =	sne.s32 s2, $0x0  }
0x6b: {  	s3 =	rddreg [dreg:$0x2];
	[bflag:$0x3] =	sbarrier.arrive $0xFFFF;
	s2 =	simm.s32 @!p0 $0x1C02  }
0x6c: {  	[timem:s3], [sflag:s2] =	dma.local @!p0 [hbm:s0], s1  }
0x6d: {  	s0 =	simm.s32 @!p0 $0x2  }
0x6e: {  	_ =	swait.ge @!p0 [sflag:s0], s1  }
0x6f: {  	s1 =	ssub.s32 @!p0 $0x0, s1;
	[sflag:s0] =	ssyncset.done @!p0 $0x0  }
0x70: {  	[sflag:s0] =	ssyncadd.s32 @!p0 s1  }
0x71: {  	[bflag:$0x3] =	sbarrier.arrive $0xFFFF  }
0x72: {  	_ =	shalt  }

// kernel: kernel.9.cloned.1.call-start
scs
__scs_entry_jumppad:
0x0: {  	(pc) =	sbr.rel $0x88, $3  }
0x1: {  	(tag) =	ssettag $0x0;
	lr =	simm.s32 $0x1  }
0x2: {  	[smem:$0x3F96] =	sst lr;
	_ =	strace $0xD0000000  }
0x3: {  	_ = 	snop  }
0x4: {  	_ = 	snop  }
0x5: {  	_ = 	snop  }
0x6: {  	_ = 	snop  }
0x7: {  	_ = 	snop  }
__scs_overlays_trampoline_lowered:
0x8: {  	[smem:$0x3FA5] =	sst s0  }
0x9: {  	[smem:$0x3FA6] =	sst s1  }
0xa: {  	[smem:$0x3FA7] =	sst s2  }
0xb: {  	[smem:$0x3FA8] =	sst s3  }
0xc: {  	[smem:$0x3FA9] =	sst s4  }
0xd: {  	[smem:$0x3FAA] =	sst s5  }
0xe: {  	[smem:$0x3FAB] =	sst s6  }
0xf: {  	[smem:$0x3FAC] =	sst s7  }
0x10: {  	[smem:$0x3FAD] =	sst s8  }
0x11: {  	[smem:$0x3FAE] =	sst s9;
	s0 =	simm.s32 @!p0 $0x0  }
0x12: {  	s1 =	sld [smem:$0x3F94];
	s0 =	simm.s32 @p0 $0x1  }
0x13: {  	[smem:$0x3FAF] =	sst s0;
	s0 =	simm.s32 @!p1 $0x0  }
0x14: {  	s2 =	sld [smem:$0x3F93];
	s0 =	simm.s32 @p1 $0x1  }
0x15: {  	[smem:$0x3FB0] =	sst s0;
	s0 =	simm.s32 @!p2 $0x0  }
0x16: {  	s3 =	sld [smem:$0x3FDB];
	s0 =	simm.s32 @p2 $0x1  }
0x17: {  	s4 =	simm.s32 $0x1BF5;
	[smem:$0x3FB2] =	sst s0  }
0x18: {  	s0 =	sld [smem:$0x3F95];
	_ =	swait.ge [sflag:s4], $0x0  }
0x19: {  	s7 =	sld [smem:$0x3F96]  }
0x1a: {  	s8 =	sadd.s32 $0xFFFFE003, lr  }
0x1b: {  	s9 =	sadd.s32 $0xFFFFFEF7, lr;
	s5 =	simm.s32 $0xFFFFFFFF;
	p2 =	slt.u32 s8, $0xFFFFF086  }
0x1c: {  	p1 =	slt.u32 s9, $0xF7A;
	s5 =	simm.s32 @!p2 $0x0  }
0x1d: {  	s5 =	simm.s32 @p1 $0x1;
	p0 =	seq.s32 s7, s2  }
0x1e: {  	s7 =	smul.u32 @!p0 $0xF7A, s2;
	p2 =	seq.s32 @!p0 s5, $0x0  }
0x1f: {  	s9 =	smul.u32 $0xF7A, s1;
	s8 =	simm.s32 @!p0 $0x1BF5;
	p2 =	por !p2, p0  }
0x20: {  	[sflag:s8] =	ssyncset.s32 @!p0 $0xFFFFF086;
	s6 =	sadd.s32 @!p0 s3, s7;
	s7 =	simm.s32 @!p0 $0x108  }
0x21: {  	s3 =	sadd.s32 s3, s9;
	s6 =	sadd.s32 @!p0 $0x88, s6;
	s7 =	simm.s32 @p2 $0x1082  }
0x22: {  	[simem:s7], [sflag:s8] =	dma.local @!p0 [hbm:s6], $0xF7A  }
0x23: {  	s9 =	sor.u32 $0xD0000000, s2;
	s6 =	simm.s32 $0x108;
	_ =	swait.ge @!p0 [sflag:s8], $0x0  }
0x24: {  	s3 =	sadd.s32 $0x88, s3;
	s6 =	simm.s32 @!p1 $0x1082;
	[sflag:s4] =	ssyncset.s32 $0xFFFFF086  }
0x25: {  	[simem:s6], [sflag:s4] =	dma.local [hbm:s3], $0xF7A  }
0x26: {  	[smem:$0x3F96] =	sst s1;
	(tag) =	ssettag s2;
	_ =	strace s9  }
0x27: {  	s1 =	sld [smem:$0x3FA6]  }
0x28: {  	s2 =	sld [smem:$0x3FA7]  }
0x29: {  	s4 =	sld [smem:$0x3FA9]  }
0x2a: {  	p0 =	seq.s32 s5, $0x0;
	s5 =	sld [smem:$0x3FAA]  }
0x2b: {  	s6 =	sld [smem:$0x3FAB]  }
0x2c: {  	s7 =	sld [smem:$0x3FAC]  }
0x2d: {  	s3 =	simm.s32 $0x108;
	s8 =	sld [smem:$0x3FAD]  }
0x2e: {  	s3 =	simm.s32 @!p0 $0x1082;
	s9 =	sld [smem:$0x3FAE]  }
0x2f: {  	lr =	sadd.s32 s0, s3;
	s0 =	sld [smem:$0x3FA5]  }
0x30: {  	s3 =	sld [smem:$0x3FA8]  }
0x31: {  	[smem:$0x3FB1] =	sst s10  }
0x32: {  	s10 =	sld [smem:$0x3FAF];
	_ =	sdelay $0x3  }
0x33: {  	p0 =	seq.s32 s10, $0x1;
	s10 =	sld [smem:$0x3FB1];
	_ =	sdelay $0x3  }
0x34: {  	[smem:$0x3FB1] =	sst s10  }
0x35: {  	s10 =	sld [smem:$0x3FB0];
	_ =	sdelay $0x3  }
0x36: {  	p1 =	seq.s32 s10, $0x1;
	s10 =	sld [smem:$0x3FB1];
	_ =	sdelay $0x3  }
0x37: {  	[smem:$0x3FB1] =	sst s10  }
0x38: {  	s10 =	sld [smem:$0x3FB2]  }
0x39: {  	_ = 	snop;
	(pc) =	sbr.ind lr, $3  }
0x3a: {  	_ = 	snop  }
0x3b: {  	_ = 	snop  }
0x3c: {  	p2 =	seq.s32 s10, $0x1;
	s10 =	sld [smem:$0x3FB1]  }
0x3d: {  	_ =	shalt  }
0x3e: {  	_ =	shalt  }
0x3f: {  	_ =	shalt  }
0x40: {  	_ =	shalt  }
0x41: {  	_ =	shalt  }
0x42: {  	_ =	shalt  }
0x43: {  	_ =	shalt  }
0x44: {  	_ =	shalt  }
0x45: {  	_ =	shalt  }
0x46: {  	_ =	shalt  }
0x47: {  	_ =	shalt  }
0x48: {  	_ =	shalt  }
0x49: {  	_ =	shalt  }
0x4a: {  	_ =	shalt  }
0x4b: {  	_ =	shalt  }
0x4c: {  	_ =	shalt  }
0x4d: {  	_ =	shalt  }
0x4e: {  	_ =	shalt  }
0x4f: {  	_ =	shalt  }
0x50: {  	_ =	shalt  }
0x51: {  	_ =	shalt  }
0x52: {  	_ =	shalt  }
0x53: {  	_ =	shalt  }
0x54: {  	_ =	shalt  }
0x55: {  	_ =	shalt  }
0x56: {  	_ =	shalt  }
0x57: {  	_ =	shalt  }
0x58: {  	_ =	shalt  }
0x59: {  	_ =	shalt  }
0x5a: {  	_ =	shalt  }
0x5b: {  	_ =	shalt  }
0x5c: {  	_ =	shalt  }
0x5d: {  	_ =	shalt  }
0x5e: {  	_ =	shalt  }
0x5f: {  	_ =	shalt  }
0x60: {  	_ =	shalt  }
0x61: {  	_ =	shalt  }
0x62: {  	_ =	shalt  }
0x63: {  	_ =	shalt  }
0x64: {  	_ =	shalt  }
0x65: {  	_ =	shalt  }
0x66: {  	_ =	shalt  }
0x67: {  	_ =	shalt  }
0x68: {  	_ =	shalt  }
0x69: {  	_ =	shalt  }
0x6a: {  	_ =	shalt  }
0x6b: {  	_ =	shalt  }
0x6c: {  	_ =	shalt  }
0x6d: {  	_ =	shalt  }
0x6e: {  	_ =	shalt  }
0x6f: {  	_ =	shalt  }
0x70: {  	_ =	shalt  }
0x71: {  	_ =	shalt  }
0x72: {  	_ =	shalt  }
0x73: {  	_ =	shalt  }
0x74: {  	_ =	shalt  }
0x75: {  	_ =	shalt  }
0x76: {  	_ =	shalt  }
0x77: {  	_ =	shalt  }
0x78: {  	_ =	shalt  }
0x79: {  	_ =	shalt  }
0x7a: {  	_ =	shalt  }
0x7b: {  	_ =	shalt  }
0x7c: {  	_ =	shalt  }
0x7d: {  	_ =	shalt  }
0x7e: {  	_ =	shalt  }
0x7f: {  	_ =	shalt  }
0x80: {  	_ =	shalt  }
0x81: {  	_ =	shalt  }
0x82: {  	_ =	shalt  }
0x83: {  	_ =	shalt  }
0x84: {  	_ =	shalt  }
0x85: {  	_ =	shalt  }
0x86: {  	_ =	shalt  }
0x87: {  	_ =	shalt  }
.Lfunc_end0:
.L_simem_size_0:
called_computation_lowered:
.L_overlay_start_0:
0x88: {  	s2 =	sld [smem:$0x3FD9]  }
0x89: {  	s3 =	sld [smem:$0x3FFE];
	_ =	sdelay $0x1  }
0x8a: {  	s1 =	srdreg.scid  }
0x8b: {  	s0 =	sand.u32 $0x1, s1  }
0x8c: {  	s17 =	sshll.u32 s0, $0xA;
	s2 =	sadd.s32 s3, s2  }
0x8d: {  	s2 =	sadd.s32 s2, s17  }
0x8e: {  	[smem:$0x3FBD] =	sst s2  }
0x8f: {  	_ = 	snop  }
0x90: {  	s2 =	sld [smem:$0x3FD0];
	(tm) =	ssettm $0x1  }
0x91: {  	s18 =	sld [smem:$0x3FFB];
	_ =	sdelay $0x3  }
0x92: {  	_ =	strace s18  }
0x93: {  	s3 =	sld [smem:$0x3FFC];
	_ =	sdelay $0x3  }
0x94: {  	_ =	strace s3  }
0x95: {  	s3 =	sld [smem:$0x3FFD];
	_ =	sdelay $0x3  }
0x96: {  	_ =	strace s3  }
0x97: {  	_ =	strace $0x8FFFFFFF  }
0x98: {  	s19 =	sld [smem:$0x3FDB];
	_ =	sdelay $0x1  }
0x99: {  	s4 =	simm.s32 $_scs_section_size  }
0x9a: {  	s5 =	simm.s32 $_size__tile_overlayer_lowered;
	s6 =	simm.s32 $_tile_overlayer_lowered  }
0x9b: {  	s22 =	simm.s32 $0x1BFF;
	s21 =	sshll.u32 s6, $0x1;
	s3 =	sadd.s32 s4, s19  }
0x9c: {  	s7 =	simm.s32 $0x0;
	s20 =	sshll.u32 s5, $0x1;
	s5 =	sadd.s32 s21, s3  }
0x9d: {  	[timem:s7], [sflag:s22] =	dma.local [hbm:s5], s20  }
0x9e: {  	_ =	swait.ge [sflag:s22], s20  }
0x9f: {  	s4 =	ssub.s32 $0x0, s20;
	[sflag:s22] =	ssyncset.done $0x0  }
0xa0: {  	[sflag:s22] =	ssyncadd.s32 s4;
	_ =	sdelay $0x1  }
0xa1: {  	s23 =	simm.s32 $0x1B8B  }
0xa2: {  	_ =	swait.ge [sflag:s23], $0x1  }
0xa3: {  	[sflag:s23] =	ssyncset.done $0x0  }
0xa4: {  	s25 =	simm.s32 $0x1B8E;
	s24 =	sld [smem:$0x3FFE];
	[sflag:s23] =	ssyncadd.s32 $0xFFFFFFFF  }
0xa5: {  	s26 =	simm.s32 $execute0_lowered;
	[smem:$0x3FD2] =	sst s25  }
0xa6: {  	s5 =	sshll.u32 s26, $0x1;
	_ =	strace $0x80000046;
	[dreg:$0x1] =	wrdreg $0xFFFFFFFF  }
0xa7: {  	s28 =	simm.s32 $_size_execute0_lowered;
	s3 =	sadd.s32 s3, s5;
	[dreg:$0x0] =	wrdreg $0x0  }
0xa8: {  	s5 =	sshll.u32 s28, $0x1;
	[dreg:$0x2] =	wrdreg s3  }
0xa9: {  	[dreg:$0x3] =	wrdreg s5  }
0xaa: {  	[dreg:$0x4] =	wrdreg $0xC0  }
0xab: {  	_ =	task [dreg:s7], $0x5FFFF  }
0xac: {  	[dreg:$0x1] =	wrdreg $0xFFFFFFFF  }
0xad: {  	[dreg:$0x0] =	wrdreg $0x60  }
0xae: {  	[dreg:$0x2] =	wrdreg s24  }
0xaf: {  	[dreg:$0x3] =	wrdreg s2  }
0xb0: {  	[dreg:$0x4] =	wrdreg $0x38000  }
0xb1: {  	[dreg:$0x5] =	wrdreg $0x9  }
0xb2: {  	_ =	task.clear_ibuf [dreg:s7], $0x6FFFF;
	_ =	strace $0x90000046  }
0xb3: {  	s29 =	simm.s32 $0x9;
	_ =	strace $0x80000048  }
0xb4: {  	_ =	swait.ge [sflag:s29], $0x1  }
0xb5: {  	[sflag:s29] =	ssyncadd.s32 $0xFFFFFFFF  }
0xb6: {  	_ =	strace $0x90000048  }
0xb7: {  	_ =	sfence  }
0xb8: {  	s30 =	sld [smem:$0x0];
	_ =	sdelay $0x2  }
0xb9: {  	s31 =	sshll.u32 s1, $0xD;
	s1 =	sshrl.u32 s1, $0x2  }
0xba: {  	s3 =	sand.u32 $0x4000, s31;
	s1 =	sadd.s32 s1, s30  }
0xbb: {  	s0 =	sor.u32 s3, s0;
	s1 =	sshll.u32 s1, $0x11  }
0xbc: {  	s0 =	sor.u32 s1, s0  }
0xbd: {  	s0 =	sadd.s32 $0x8F2B, s0  }
0xbe: {  	[sflag:s0] =	ssyncadd.remote.s32 $0x1  }
0xbf: {  	_ =	sfence.sel $0xFFFF  }
0xc0: {  	[dreg:$0x0] =	wrdreg $0xFFFFFFFF;
	(pc) =	sbr.abs _section_cstart, $3  }
0xc1: {  	[dreg:$0x1] =	wrdreg $0xFFFFFFFF  }
0xc2: {  	_ =	task.clear_ibuf [dreg:s7], $0x2FFFF;
	_ =	strace $0x9FFFFFFF  }
0xc3: {  	(tm) =	ssettm $0x7FFFFFFF  }
tec
execute0_lowered:
.L_overlay_start_1:
0x0: {  	(tag) =	ssettag $0x1  }
0x1: {  	s1 =	srdreg.scid;
	s5 =	rddreg [dreg:$0x0]  }
0x2: {  	s0 =	stileid.u32;
	s2 =	rddreg [dreg:$0x1]  }
0x3: {  	s3 =	rddreg [dreg:$0x2];
	s4 =	simm.s32 $0x0;
	s15 =	simm.s32 $0x1  }
0x4: {  	s16 =	simm.s32 $0x1000;
	s17 =	simm.s32 $0x50;
	s18 =	simm.s32 $0x0  }
0x5: {  	s6 =	sand.u32 $0x1, s1;
	s25 =	sshll.u32 s0, $0x1;
	s8 =	smul.u32 $0x14000, s0  }
0x6: {  	[smem:$0x7FF] =	sst s4;
	s28 =	smul.u32 $0x50000, s0;
	s31 =	sshll.u32 s0, $0x6  }
0x7: {  	s1 =	sor.u32 s6, s25;
	s9 =	smul.u32 $0x140000, s6;
	s6 =	ssub.s32 $0x2, s6  }
0x8: {  	s7 =	smul.u32 $0x5000, s1;
	s1 =	rddreg [dreg:$0x3];
	_ =	strace $0x80000047  }
0x9: {  	s26 =	sshrl.u32 s8, $0x3;
	s29 =	sshrl.u32 s6, $0x1;
	s30 =	sshrl.u32 s28, $0x2  }
0xa: {  	s8 =	sadd.s32 s8, s9;
	s10 =	ssub.s32 s6, s29;
	s14 =	sadd.s32 s30, s3  }
0xb: {  	s6 =	sor.u32 $0x1C01, s31;
	s7 =	sshrl.u32 s7, $0x3;
	s8 =	sshrl.u32 s8, $0x3  }
0xc: {  	s13 =	sadd.s32 s7, s5;
	s7 =	sadd.s32 s26, s5;
	s8 =	sadd.s32 s8, s5  }
0xd: {  	s14 =	sshrl.u32 s14, $0x3;
	s5 =	sadd.s32 $0x17000, s7;
	s7 =	sadd.s32 $0x3F000, s8  }
0xe: {  	s8 =	smax.u32 s10, $0x1;
	s9 =	sadd.s32 $0x3000, s13;
	s10 =	sadd.s32 $0x3200, s13  }
0xf: {  	s11 =	sadd.s32 $0x3400, s13;
	s12 =	sadd.s32 $0x3600, s13;
	s13 =	sadd.s32 $0x3800, s13  }
.LBB2_1:
0x10: {  	[spmem:s14], [sflag:s6] =	dma.local [hbm:s5], $0x2800  }
0x11: {  	_ =	swait.ge [sflag:s15], $0x2800  }
0x12: {  	[sflag:s15] =	ssyncset.done $0x0  }
0x13: {  	[sflag:s15] =	ssyncadd.s32 $0xFFFFD800  }
0x14: {  	[tilespmem:s16], [sflag:$0x1] =	stream.linear.gather [hbm4b:s2+s4], $0x2800, $0x38;
	[tilespmem:$0x17800] =	vst v63  }
0x15: {  	_ =	swait.ge [sflag:s15], $0x2800  }
0x16: {  	[sflag:s15] =	ssyncset.done $0x0  }
0x17: {  	[sflag:s15] =	ssyncadd.s32 $0xFFFFD800  }
0x18: {  	[bflag:$0x0] =	sbarrier.arrive $0xFFFF  }
0x19: {  	[tilespmem:s4], [sflag:$0x1] =	stream.linear.gather [hbm4b:s9+s4], $0xC80, $0x38;
	[tilespmem:$0x17800] =	vst v63  }
0x1a: {  	_ =	swait.ge [sflag:s15], $0xC80  }
0x1b: {  	[sflag:s15] =	ssyncset.done $0x0  }
0x1c: {  	s19 =	simm.s32 $0x0;
	[sflag:s15] =	ssyncadd.s32 $0xFFFFF380  }
0x1d: {  	[spmem:s3] =	stream.indirect.scatter.add.f32 [tilespmem:s16], [sflag:$0x1], $0x80, s19, s17, $0xb8;
	[tilespmem:$0x17800] =	vst v63  }
0x1e: {  	_ =	swait.ge [sflag:s15], $0x2800  }
0x1f: {  	s19 =	simm.s32 $0x200;
	[sflag:s15] =	ssyncset.done $0x0  }
.LBB2_2:
0x20: {  	s20 =	sshra.s32 s19, $0x2;
	[sflag:s15] =	ssyncadd.s32 $0xFFFFD800;
	p0 =	sne.s32 s19, $0x3000  }
0x21: {  	[spmem:s3] =	stream.indirect.scatter.add.f32 [tilespmem:s16], [sflag:$0x1], $0x80, s20, s17, $0xb8;
	[tilespmem:$0x17800] =	vst v63  }
.Ltmp0:
0x22: {  	_ = 	snop;
	(pc) =	sbr.rel @p0 .LBB2_2-.Ltmp0, $4  }
0x23: {  	_ = 	snop  }
0x24: {  	s19 =	sadd.s32 $0x200, s19  }
0x25: {  	_ =	swait.ge [sflag:s15], $0x2800  }
0x26: {  	[sflag:s15] =	ssyncset.done $0x0  }
0x27: {  	[sflag:s15] =	ssyncadd.s32 $0xFFFFD800;
	s19 =	simm.s32 $0x0  }
0x28: {  	[tilespmem:s19], [sflag:$0x1] =	stream.linear.gather [hbm4b:s10+s19], $0xC80, $0x38;
	[tilespmem:$0x17800] =	vst v63  }
0x29: {  	_ =	swait.ge [sflag:s15], $0xC80  }
0x2a: {  	[sflag:s15] =	ssyncset.done $0x0  }
0x2b: {  	s31 =	simm.s32 $0x0;
	[sflag:s15] =	ssyncadd.s32 $0xFFFFF380  }
0x2c: {  	[spmem:s3] =	stream.indirect.scatter.add.f32 [tilespmem:s16], [sflag:$0x1], $0x80, s31, s17, $0xb8;
	[tilespmem:$0x17800] =	vst v63  }
0x2d: {  	_ =	swait.ge [sflag:s15], $0x2800  }
0x2e: {  	s19 =	simm.s32 $0x200;
	[sflag:s15] =	ssyncset.done $0x0  }
.LBB2_4:
0x2f: {  	s20 =	sshra.s32 s19, $0x2;
	[sflag:s15] =	ssyncadd.s32 $0xFFFFD800;
	p0 =	sne.s32 s19, $0x3000  }
0x30: {  	[spmem:s3] =	stream.indirect.scatter.add.f32 [tilespmem:s16], [sflag:$0x1], $0x80, s20, s17, $0xb8;
	[tilespmem:$0x17800] =	vst v63  }
.Ltmp1:
0x31: {  	_ = 	snop;
	(pc) =	sbr.rel @p0 .LBB2_4-.Ltmp1, $4  }
0x32: {  	_ = 	snop  }
0x33: {  	s19 =	sadd.s32 $0x200, s19  }
0x34: {  	_ =	swait.ge [sflag:s15], $0x2800  }
0x35: {  	[sflag:s15] =	ssyncset.done $0x0  }
0x36: {  	[sflag:s15] =	ssyncadd.s32 $0xFFFFD800;
	s19 =	simm.s32 $0x0  }
0x37: {  	[tilespmem:s19], [sflag:$0x1] =	stream.linear.gather [hbm4b:s11+s19], $0xC80, $0x38;
	[tilespmem:$0x17800] =	vst v63  }
0x38: {  	_ =	swait.ge [sflag:s15], $0xC80  }
0x39: {  	[sflag:s15] =	ssyncset.done $0x0  }
0x3a: {  	s31 =	simm.s32 $0x0;
	[sflag:s15] =	ssyncadd.s32 $0xFFFFF380  }
0x3b: {  	[spmem:s3] =	stream.indirect.scatter.add.f32 [tilespmem:s16], [sflag:$0x1], $0x80, s31, s17, $0xb8;
	[tilespmem:$0x17800] =	vst v63  }
0x3c: {  	_ =	swait.ge [sflag:s15], $0x2800  }
0x3d: {  	s19 =	simm.s32 $0x200;
	[sflag:s15] =	ssyncset.done $0x0  }
.LBB2_6:
0x3e: {  	s20 =	sshra.s32 s19, $0x2;
	[sflag:s15] =	ssyncadd.s32 $0xFFFFD800;
	p0 =	sne.s32 s19, $0x3000  }
0x3f: {  	[spmem:s3] =	stream.indirect.scatter.add.f32 [tilespmem:s16], [sflag:$0x1], $0x80, s20, s17, $0xb8;
	[tilespmem:$0x17800] =	vst v63  }
.Ltmp2:
0x40: {  	_ = 	snop;
	(pc) =	sbr.rel @p0 .LBB2_6-.Ltmp2, $4  }
0x41: {  	_ = 	snop  }
0x42: {  	s19 =	sadd.s32 $0x200, s19  }
0x43: {  	_ =	swait.ge [sflag:s15], $0x2800  }
0x44: {  	[sflag:s15] =	ssyncset.done $0x0  }
0x45: {  	[sflag:s15] =	ssyncadd.s32 $0xFFFFD800;
	s19 =	simm.s32 $0x0  }
0x46: {  	[tilespmem:s19], [sflag:$0x1] =	stream.linear.gather [hbm4b:s12+s19], $0xC80, $0x38;
	[tilespmem:$0x17800] =	vst v63  }
0x47: {  	_ =	swait.ge [sflag:s15], $0xC80  }
0x48: {  	[sflag:s15] =	ssyncset.done $0x0  }
0x49: {  	s31 =	simm.s32 $0x0;
	[sflag:s15] =	ssyncadd.s32 $0xFFFFF380  }
0x4a: {  	[spmem:s3] =	stream.indirect.scatter.add.f32 [tilespmem:s16], [sflag:$0x1], $0x80, s31, s17, $0xb8;
	[tilespmem:$0x17800] =	vst v63  }
0x4b: {  	_ =	swait.ge [sflag:s15], $0x2800  }
0x4c: {  	s19 =	simm.s32 $0x200;
	[sflag:s15] =	ssyncset.done $0x0  }
.LBB2_8:
0x4d: {  	s20 =	sshra.s32 s19, $0x2;
	[sflag:s15] =	ssyncadd.s32 $0xFFFFD800;
	p0 =	sne.s32 s19, $0x3000  }
0x4e: {  	[spmem:s3] =	stream.indirect.scatter.add.f32 [tilespmem:s16], [sflag:$0x1], $0x80, s20, s17, $0xb8;
	[tilespmem:$0x17800] =	vst v63  }
.Ltmp3:
0x4f: {  	_ = 	snop;
	(pc) =	sbr.rel @p0 .LBB2_8-.Ltmp3, $4  }
0x50: {  	_ = 	snop  }
0x51: {  	s19 =	sadd.s32 $0x200, s19  }
0x52: {  	_ =	swait.ge [sflag:s15], $0x2800  }
0x53: {  	[sflag:s15] =	ssyncset.done $0x0  }
0x54: {  	[sflag:s15] =	ssyncadd.s32 $0xFFFFD800;
	s19 =	simm.s32 $0x0  }
0x55: {  	[tilespmem:s19], [sflag:$0x1] =	stream.linear.gather [hbm4b:s13+s19], $0xC80, $0x38;
	[tilespmem:$0x17800] =	vst v63  }
0x56: {  	_ =	swait.ge [sflag:s15], $0xC80  }
0x57: {  	[sflag:s15] =	ssyncset.done $0x0  }
0x58: {  	s31 =	simm.s32 $0x0;
	[sflag:s15] =	ssyncadd.s32 $0xFFFFF380  }
0x59: {  	[spmem:s3] =	stream.indirect.scatter.add.f32 [tilespmem:s16], [sflag:$0x1], $0x80, s31, s17, $0xb8;
	[tilespmem:$0x17800] =	vst v63  }
0x5a: {  	_ =	swait.ge [sflag:s15], $0x2800  }
0x5b: {  	s19 =	simm.s32 $0x200;
	[sflag:s15] =	ssyncset.done $0x0  }
.LBB2_10:
0x5c: {  	s20 =	sshra.s32 s19, $0x2;
	[sflag:s15] =	ssyncadd.s32 $0xFFFFD800;
	p0 =	sne.s32 s19, $0x3000  }
0x5d: {  	[spmem:s3] =	stream.indirect.scatter.add.f32 [tilespmem:s16], [sflag:$0x1], $0x80, s20, s17, $0xb8;
	[tilespmem:$0x17800] =	vst v63  }
.Ltmp4:
0x5e: {  	_ = 	snop;
	(pc) =	sbr.rel @p0 .LBB2_10-.Ltmp4, $4  }
0x5f: {  	_ = 	snop  }
0x60: {  	s19 =	sadd.s32 $0x200, s19  }
0x61: {  	_ =	swait.ge [sflag:s15], $0x2800  }
0x62: {  	[sflag:s15] =	ssyncset.done $0x0  }
0x63: {  	s18 =	sadd.s32 $0x1, s18  }
0x64: {  	[sflag:s15] =	ssyncadd.s32 $0xFFFFD800;
	p0 =	sne.s32 s18, s8  }
.Ltmp5:
0x65: {  	[bflag:$0x0] =	sbarrier.arrive $0xFFFF;
	(pc) =	sbr.rel @p0 .LBB2_1-.Ltmp5, $4  }
0x66: {  	[hbm:s7], [sflag:s6] =	dma.local [spmem:s14], $0x2800  }
0x67: {  	_ =	swait.ge [sflag:s15], $0x2800  }
0x68: {  	[sflag:s15] =	ssyncset.done $0x0  }
0x69: {  	[sflag:s15] =	ssyncadd.s32 $0xFFFFD800  }
0x6a: {  	_ =	sfence.sel $0x180000  }
0x6b: {  	[bflag:$0x0] =	sbarrier.arrive $0xFFFF  }
0x6c: {  	p0 =	sne.s32 s0, $0x0;
	_ =	strace $0x90000047  }
0x6d: {  	s0 =	sadd.s32 @!p0 $0x100000, s1;
	[bflag:$0x2] =	sbarrier.arrive $0xFFFF  }
0x6e: {  	[sflag:s0] =	ssyncadd.tile.s32 @!p0 $0x1;
	_ =	shalt  }
.Lfunc_end2:
_tile_overlayer_lowered:
.L_overlay_start_2:
0x6f: {  	(tag) =	ssettag $0x2  }
0x70: {  	s0 =	rddreg [dreg:$0x0];
	s2 =	stileid.u32  }
0x71: {  	s1 =	rddreg [dreg:$0x1];
	p0 =	sne.s32 s2, $0x0  }
0x72: {  	s3 =	rddreg [dreg:$0x2];
	[bflag:$0x3] =	sbarrier.arrive $0xFFFF;
	s2 =	simm.s32 @!p0 $0x1C01  }
0x73: {  	[timem:s3], [sflag:s2] =	dma.local @!p0 [hbm:s0], s1  }
0x74: {  	s0 =	simm.s32 @!p0 $0x1  }
0x75: {  	_ =	swait.ge @!p0 [sflag:s0], s1  }
0x76: {  	s1 =	ssub.s32 @!p0 $0x0, s1;
	[sflag:s0] =	ssyncset.done @!p0 $0x0  }
0x77: {  	[sflag:s0] =	ssyncadd.s32 @!p0 s1  }
0x78: {  	[bflag:$0x3] =	sbarrier.arrive $0xFFFF  }
0x79: {  	_ =	shalt  }

</sc_bundles>
